<compile_context>
chip_gen: v7x
topology: tpu7x:2x2x1
jax: 0.10.2.dev20260603
libtpu: 0.0.44.dev20260713+nightly
codegen_flags: <defaults>
</compile_context>

<pallas_src>
import functools

import jax
import jax.numpy as jnp
from jax import lax
from jax.experimental import pallas as pl
from jax.experimental.pallas import tpu as pltpu
from jax.experimental.pallas import tpu_sc as plsc

_CHUNK = 128
_NBUF = 4


@functools.lru_cache(maxsize=None)
def _build(num_idx, dim):
    info = plsc.get_sparse_core_info()
    nc, ns = info.num_cores, info.num_subcores
    nw = nc * ns
    chunks_total = num_idx // _CHUNK
    n = chunks_total // nw
    per_w = n * _CHUNK

    mesh = plsc.VectorSubcoreMesh(core_axis_name="c", subcore_axis_name="s")

    @functools.partial(
        pl.kernel,
        mesh=mesh,
        compiler_params=pltpu.CompilerParams(use_tc_tiling_on_sc=False),
        out_type=jax.ShapeDtypeStruct((num_idx, dim), jnp.float32),
        scratch_types=[
            pltpu.VMEM((n, _CHUNK), jnp.int32),
        ]
        + [pltpu.VMEM((_CHUNK, dim), jnp.float32) for _ in range(_NBUF)]
        + [pltpu.SemaphoreType.DMA for _ in range(2 * _NBUF)],
    )
    def k(table_hbm, idx_hbm, out_hbm, idx_v, *scr):
        bufs = scr[:_NBUF]
        gsems = scr[_NBUF : 2 * _NBUF]
        ssems = scr[2 * _NBUF :]

        wid = lax.axis_index("s") * nc + lax.axis_index("c")
        row0 = wid * n
        pltpu.sync_copy(idx_hbm.at[pl.ds(row0, n)], idx_v)
        base = wid * per_w

        def g_copy(j, b):
            return pltpu.make_async_copy(
                table_hbm.at[idx_v.at[j]], bufs[b], gsems[b]
            )

        def s_copy(j, b):
            return pltpu.make_async_copy(
                bufs[b], out_hbm.at[pl.ds(base + j * _CHUNK, _CHUNK)], ssems[b]
            )

        def step(j, b):
            g_copy(j, b).wait()
            s_copy(j, b).start()
            pb = (b - 1) % _NBUF
            pj = j - 1
            s_copy(pj, pb).wait()
            g_copy(pj + _NBUF, pb).start()

        for b in range(_NBUF):
            g_copy(b, b).start()
        g_copy(0, 0).wait()
        s_copy(0, 0).start()
        for b in range(1, _NBUF):
            step(b, b)

        def body(o, carry):
            for b in range(_NBUF):
                step(o * _NBUF + b, b)
            return carry

        lax.fori_loop(1, n // _NBUF - 1, body, 0)

        o = n // _NBUF - 1
        step(o * _NBUF, 0)
        for b in range(1, _NBUF):
            j = o * _NBUF + b
            g_copy(j, b).wait()
            s_copy(j, b).start()

        for b in range(_NBUF):
            s_copy(n - _NBUF + b, b).wait()

    return k


def kernel(embedding, x):
    orig_shape = x.shape
    xf = x.reshape(-1)
    num = xf.shape[0]
    idx2d = xf.reshape(num // _CHUNK, _CHUNK)
    out = _build(num, embedding.shape[1])(embedding, idx2d)
    return out.reshape(*orig_shape, embedding.shape[1])

# --- scband reference (transcript-rebuilt; emitter-appended) ---
"""Pipeline reference for scband-positional-embedding-12292196402089 (READ-ONLY COPY).

The authoritative reference and input builder live on the scoring server;
editing this copy changes nothing except your own understanding.
"""

import jax, jax.numpy as jnp
import numpy as np
import math

DIM = 64
MAX_LENGTH = 100000

def make_embedding(dim, max_length):
    embedding = jnp.zeros((max_length, dim))
    position = jnp.arange(0, max_length)[:, None].astype(jnp.float32)
    div_term = jnp.exp(jnp.arange(0, dim, 2) * (-math.log(max_length / 2 / math.pi) / dim))
    embedding = embedding.at[:, 0::2].set(jnp.sin(position * div_term))
    embedding = embedding.at[:, 1::2].set(jnp.cos(position * div_term))
    return embedding

def setup_inputs(seed: int = 0) -> dict:
    key = jax.random.key(seed)
    x = jax.random.randint(key, (4096, 200), 0, MAX_LENGTH, dtype=jnp.int64) if jax.config.jax_enable_x64 else jax.random.randint(key, (4096, 200), 0, MAX_LENGTH, dtype=jnp.int32)
    embedding = make_embedding(DIM, MAX_LENGTH)
    return {"embedding": embedding, "x": x}

def reference(embedding, x):
    if x.ndim == 0:
        x = x[None]
    return jnp.take(embedding, x, axis=0)

if __name__ == "__main__":
    import jax
    _d = setup_inputs()
    print(jax.jit(kernel)(*tuple(_d.values())))

</pallas_src>

<mosaic_0001>
#map = affine_map<(d0, d1) -> (0, 0)>
module attributes {stable_mosaic.version = 14 : i64} {
  func.func @k(%arg0: i32, %arg1: i32, %arg2: memref<100000x64xf32, #tpu.memory_space<hbm>>, %arg3: memref<6400x128xi32, #tpu.memory_space<hbm>>, %arg4: memref<819200x64xf32, #tpu.memory_space<hbm>>, %arg5: memref<200x128xi32, #tpu.memory_space<vmem>>, %arg6: memref<128x64xf32, #tpu.memory_space<vmem>>, %arg7: memref<128x64xf32, #tpu.memory_space<vmem>>, %arg8: memref<128x64xf32, #tpu.memory_space<vmem>>, %arg9: memref<128x64xf32, #tpu.memory_space<vmem>>, %arg10: memref<!tpu.dma_semaphore, #tpu.memory_space<semaphore_mem>>, %arg11: memref<!tpu.dma_semaphore, #tpu.memory_space<semaphore_mem>>, %arg12: memref<!tpu.dma_semaphore, #tpu.memory_space<semaphore_mem>>, %arg13: memref<!tpu.dma_semaphore, #tpu.memory_space<semaphore_mem>>, %arg14: memref<!tpu.dma_semaphore, #tpu.memory_space<semaphore_mem>>, %arg15: memref<!tpu.dma_semaphore, #tpu.memory_space<semaphore_mem>>, %arg16: memref<!tpu.dma_semaphore, #tpu.memory_space<semaphore_mem>>, %arg17: memref<!tpu.dma_semaphore, #tpu.memory_space<semaphore_mem>>) attributes {dimension_semantics = [#tpu.dimension_semantics<core_parallel>, #tpu.dimension_semantics<subcore_parallel>], iteration_bounds = array<i64: 2, 16>, scalar_prefetch = 0 : i64, scratch_operands = 13 : i64, tpu.core_type = #tpu.core_type<sc_vector_subcore>, window_params = [{transform_indices = #map}, {transform_indices = #map}, {transform_indices = #map}]} {
    %mul3A = arith.constant 2 : i32
    %mul3A_0 = arith.muli %arg1, %mul3A : i32
    %add3A = arith.addi %mul3A_0, %arg0 : i32
    %mul3A_1 = arith.constant 200 : i32
    %mul3A_2 = arith.muli %add3A, %mul3A_1 : i32
    "tpu.region"() ({
      %run_scoped3A = tpu.sem_alloc : memref<!tpu.dma_semaphore, #tpu.memory_space<semaphore_mem>>
      %dma_start3A_216 = arith.constant 0 : i32
      %dma_start3A_217 = tpu.memref_slice %arg3[%mul3A_2, %dma_start3A_216] : memref<6400x128xi32, #tpu.memory_space<hbm>> -> memref<200x128xi32, #tpu.memory_space<hbm>>
      %dma_start3A_218 = arith.constant 0 : i32
      %dma_start3A_219 = tpu.memref_slice %arg3[%mul3A_2, %dma_start3A_218] : memref<6400x128xi32, #tpu.memory_space<hbm>> -> memref<200x128xi32, #tpu.memory_space<hbm>>
      tpu.enqueue_dma source(%dma_start3A_219 : memref<200x128xi32, #tpu.memory_space<hbm>>) target(%arg5 : memref<200x128xi32, #tpu.memory_space<vmem>>) target_semaphore(%run_scoped3A : memref<!tpu.dma_semaphore, #tpu.memory_space<semaphore_mem>>)
      %dma_wait3A_220 = arith.constant 0 : i32
      %dma_wait3A_221 = tpu.memref_slice %arg3[%mul3A_2, %dma_wait3A_220] : memref<6400x128xi32, #tpu.memory_space<hbm>> -> memref<200x128xi32, #tpu.memory_space<hbm>>
      %dma_wait3A_222 = arith.constant 0 : i32
      %dma_wait3A_223 = tpu.memref_slice %arg3[%mul3A_2, %dma_wait3A_222] : memref<6400x128xi32, #tpu.memory_space<hbm>> -> memref<200x128xi32, #tpu.memory_space<hbm>>
      tpu.wait_dma2 semaphore(%run_scoped3A : memref<!tpu.dma_semaphore, #tpu.memory_space<semaphore_mem>>) src(%dma_wait3A_223 : memref<200x128xi32, #tpu.memory_space<hbm>>) dst(%arg5 : memref<200x128xi32, #tpu.memory_space<vmem>>)
      tpu.yield
    }) : () -> ()
    %mul3A_3 = arith.constant 25600 : i32
    %mul3A_4 = arith.muli %add3A, %mul3A_3 : i32
    %dma_start3A = arith.constant 0 : i32
    %dma_start3A_5 = arith.constant 0 : i32
    %dma_start3A_6 = tpu.memref_slice %arg5[%dma_start3A, %dma_start3A_5] : memref<200x128xi32, #tpu.memory_space<vmem>> -> memref<1x128xi32, #tpu.memory_space<vmem>>
    %dma_start3A_7 = tpu.memref_squeeze %dma_start3A_6 : memref<1x128xi32, #tpu.memory_space<vmem>> -> memref<128xi32, #tpu.memory_space<vmem>>
    %dma_start3A_8 = arith.constant 0 : i32
    %dma_start3A_9 = arith.constant 0 : i32
    %dma_start3A_10 = tpu.memref_slice %arg2[%dma_start3A_8, %dma_start3A_9] : memref<100000x64xf32, #tpu.memory_space<hbm>> -> memref<100000x64xf32, #tpu.memory_space<hbm>>
    tpu.enqueue_indirect_dma source(%dma_start3A_10 : memref<100000x64xf32, #tpu.memory_space<hbm>>) target(%arg6 : memref<128x64xf32, #tpu.memory_space<vmem>>) offsets(%dma_start3A_7 : memref<128xi32, #tpu.memory_space<vmem>>) semaphore(%arg10 : memref<!tpu.dma_semaphore, #tpu.memory_space<semaphore_mem>>)
    %dma_start3A_11 = arith.constant 1 : i32
    %dma_start3A_12 = arith.constant 0 : i32
    %dma_start3A_13 = tpu.memref_slice %arg5[%dma_start3A_11, %dma_start3A_12] : memref<200x128xi32, #tpu.memory_space<vmem>> -> memref<1x128xi32, #tpu.memory_space<vmem>>
    %dma_start3A_14 = tpu.memref_squeeze %dma_start3A_13 : memref<1x128xi32, #tpu.memory_space<vmem>> -> memref<128xi32, #tpu.memory_space<vmem>>
    %dma_start3A_15 = arith.constant 0 : i32
    %dma_start3A_16 = arith.constant 0 : i32
    %dma_start3A_17 = tpu.memref_slice %arg2[%dma_start3A_15, %dma_start3A_16] : memref<100000x64xf32, #tpu.memory_space<hbm>> -> memref<100000x64xf32, #tpu.memory_space<hbm>>
    tpu.enqueue_indirect_dma source(%dma_start3A_17 : memref<100000x64xf32, #tpu.memory_space<hbm>>) target(%arg7 : memref<128x64xf32, #tpu.memory_space<vmem>>) offsets(%dma_start3A_14 : memref<128xi32, #tpu.memory_space<vmem>>) semaphore(%arg11 : memref<!tpu.dma_semaphore, #tpu.memory_space<semaphore_mem>>)
    %dma_start3A_18 = arith.constant 2 : i32
    %dma_start3A_19 = arith.constant 0 : i32
    %dma_start3A_20 = tpu.memref_slice %arg5[%dma_start3A_18, %dma_start3A_19] : memref<200x128xi32, #tpu.memory_space<vmem>> -> memref<1x128xi32, #tpu.memory_space<vmem>>
    %dma_start3A_21 = tpu.memref_squeeze %dma_start3A_20 : memref<1x128xi32, #tpu.memory_space<vmem>> -> memref<128xi32, #tpu.memory_space<vmem>>
    %dma_start3A_22 = arith.constant 0 : i32
    %dma_start3A_23 = arith.constant 0 : i32
    %dma_start3A_24 = tpu.memref_slice %arg2[%dma_start3A_22, %dma_start3A_23] : memref<100000x64xf32, #tpu.memory_space<hbm>> -> memref<100000x64xf32, #tpu.memory_space<hbm>>
    tpu.enqueue_indirect_dma source(%dma_start3A_24 : memref<100000x64xf32, #tpu.memory_space<hbm>>) target(%arg8 : memref<128x64xf32, #tpu.memory_space<vmem>>) offsets(%dma_start3A_21 : memref<128xi32, #tpu.memory_space<vmem>>) semaphore(%arg12 : memref<!tpu.dma_semaphore, #tpu.memory_space<semaphore_mem>>)
    %dma_start3A_25 = arith.constant 3 : i32
    %dma_start3A_26 = arith.constant 0 : i32
    %dma_start3A_27 = tpu.memref_slice %arg5[%dma_start3A_25, %dma_start3A_26] : memref<200x128xi32, #tpu.memory_space<vmem>> -> memref<1x128xi32, #tpu.memory_space<vmem>>
    %dma_start3A_28 = tpu.memref_squeeze %dma_start3A_27 : memref<1x128xi32, #tpu.memory_space<vmem>> -> memref<128xi32, #tpu.memory_space<vmem>>
    %dma_start3A_29 = arith.constant 0 : i32
    %dma_start3A_30 = arith.constant 0 : i32
    %dma_start3A_31 = tpu.memref_slice %arg2[%dma_start3A_29, %dma_start3A_30] : memref<100000x64xf32, #tpu.memory_space<hbm>> -> memref<100000x64xf32, #tpu.memory_space<hbm>>
    tpu.enqueue_indirect_dma source(%dma_start3A_31 : memref<100000x64xf32, #tpu.memory_space<hbm>>) target(%arg9 : memref<128x64xf32, #tpu.memory_space<vmem>>) offsets(%dma_start3A_28 : memref<128xi32, #tpu.memory_space<vmem>>) semaphore(%arg13 : memref<!tpu.dma_semaphore, #tpu.memory_space<semaphore_mem>>)
    %dma_wait3A = arith.constant 0 : i32
    %dma_wait3A_32 = arith.constant 0 : i32
    %dma_wait3A_33 = tpu.memref_slice %arg5[%dma_wait3A, %dma_wait3A_32] : memref<200x128xi32, #tpu.memory_space<vmem>> -> memref<1x128xi32, #tpu.memory_space<vmem>>
    %dma_wait3A_34 = tpu.memref_squeeze %dma_wait3A_33 : memref<1x128xi32, #tpu.memory_space<vmem>> -> memref<128xi32, #tpu.memory_space<vmem>>
    %dma_wait3A_35 = arith.constant 0 : i32
    %dma_wait3A_36 = arith.constant 0 : i32
    %dma_wait3A_37 = tpu.memref_slice %arg2[%dma_wait3A_35, %dma_wait3A_36] : memref<100000x64xf32, #tpu.memory_space<hbm>> -> memref<100000x64xf32, #tpu.memory_space<hbm>>
    tpu.wait_indirect_dma semaphore(%arg10 : memref<!tpu.dma_semaphore, #tpu.memory_space<semaphore_mem>>) src(%dma_wait3A_37 : memref<100000x64xf32, #tpu.memory_space<hbm>>) dst(%arg6 : memref<128x64xf32, #tpu.memory_space<vmem>>)
    %add3A_38 = arith.constant 0 : i32
    %add3A_39 = arith.addi %mul3A_4, %add3A_38 : i32
    %dma_start3A_40 = arith.constant 0 : i32
    %dma_start3A_41 = tpu.memref_slice %arg4[%add3A_39, %dma_start3A_40] : memref<819200x64xf32, #tpu.memory_space<hbm>> -> memref<128x64xf32, #tpu.memory_space<hbm>>
    %dma_start3A_42 = arith.constant 0 : i32
    %dma_start3A_43 = tpu.memref_slice %arg4[%add3A_39, %dma_start3A_42] : memref<819200x64xf32, #tpu.memory_space<hbm>> -> memref<128x64xf32, #tpu.memory_space<hbm>>
    tpu.enqueue_dma source(%arg6 : memref<128x64xf32, #tpu.memory_space<vmem>>) target(%dma_start3A_43 : memref<128x64xf32, #tpu.memory_space<hbm>>) target_semaphore(%arg14 : memref<!tpu.dma_semaphore, #tpu.memory_space<semaphore_mem>>)
    %dma_wait3A_44 = arith.constant 1 : i32
    %dma_wait3A_45 = arith.constant 0 : i32
    %dma_wait3A_46 = tpu.memref_slice %arg5[%dma_wait3A_44, %dma_wait3A_45] : memref<200x128xi32, #tpu.memory_space<vmem>> -> memref<1x128xi32, #tpu.memory_space<vmem>>
    %dma_wait3A_47 = tpu.memref_squeeze %dma_wait3A_46 : memref<1x128xi32, #tpu.memory_space<vmem>> -> memref<128xi32, #tpu.memory_space<vmem>>
    %dma_wait3A_48 = arith.constant 0 : i32
    %dma_wait3A_49 = arith.constant 0 : i32
    %dma_wait3A_50 = tpu.memref_slice %arg2[%dma_wait3A_48, %dma_wait3A_49] : memref<100000x64xf32, #tpu.memory_space<hbm>> -> memref<100000x64xf32, #tpu.memory_space<hbm>>
    tpu.wait_indirect_dma semaphore(%arg11 : memref<!tpu.dma_semaphore, #tpu.memory_space<semaphore_mem>>) src(%dma_wait3A_50 : memref<100000x64xf32, #tpu.memory_space<hbm>>) dst(%arg7 : memref<128x64xf32, #tpu.memory_space<vmem>>)
    %add3A_51 = arith.constant 128 : i32
    %add3A_52 = arith.addi %mul3A_4, %add3A_51 : i32
    %dma_start3A_53 = arith.constant 0 : i32
    %dma_start3A_54 = tpu.memref_slice %arg4[%add3A_52, %dma_start3A_53] : memref<819200x64xf32, #tpu.memory_space<hbm>> -> memref<128x64xf32, #tpu.memory_space<hbm>>
    %dma_start3A_55 = arith.constant 0 : i32
    %dma_start3A_56 = tpu.memref_slice %arg4[%add3A_52, %dma_start3A_55] : memref<819200x64xf32, #tpu.memory_space<hbm>> -> memref<128x64xf32, #tpu.memory_space<hbm>>
    tpu.enqueue_dma source(%arg7 : memref<128x64xf32, #tpu.memory_space<vmem>>) target(%dma_start3A_56 : memref<128x64xf32, #tpu.memory_space<hbm>>) target_semaphore(%arg15 : memref<!tpu.dma_semaphore, #tpu.memory_space<semaphore_mem>>)
    %add3A_57 = arith.constant 0 : i32
    %add3A_58 = arith.addi %mul3A_4, %add3A_57 : i32
    %dma_wait3A_59 = arith.constant 0 : i32
    %dma_wait3A_60 = tpu.memref_slice %arg4[%add3A_58, %dma_wait3A_59] : memref<819200x64xf32, #tpu.memory_space<hbm>> -> memref<128x64xf32, #tpu.memory_space<hbm>>
    %dma_wait3A_61 = arith.constant 0 : i32
    %dma_wait3A_62 = tpu.memref_slice %arg4[%add3A_58, %dma_wait3A_61] : memref<819200x64xf32, #tpu.memory_space<hbm>> -> memref<128x64xf32, #tpu.memory_space<hbm>>
    tpu.wait_dma2 semaphore(%arg14 : memref<!tpu.dma_semaphore, #tpu.memory_space<semaphore_mem>>) src(%arg6 : memref<128x64xf32, #tpu.memory_space<vmem>>) dst(%dma_wait3A_62 : memref<128x64xf32, #tpu.memory_space<hbm>>)
    %dma_start3A_63 = arith.constant 4 : i32
    %dma_start3A_64 = arith.constant 0 : i32
    %dma_start3A_65 = tpu.memref_slice %arg5[%dma_start3A_63, %dma_start3A_64] : memref<200x128xi32, #tpu.memory_space<vmem>> -> memref<1x128xi32, #tpu.memory_space<vmem>>
    %dma_start3A_66 = tpu.memref_squeeze %dma_start3A_65 : memref<1x128xi32, #tpu.memory_space<vmem>> -> memref<128xi32, #tpu.memory_space<vmem>>
    %dma_start3A_67 = arith.constant 0 : i32
    %dma_start3A_68 = arith.constant 0 : i32
    %dma_start3A_69 = tpu.memref_slice %arg2[%dma_start3A_67, %dma_start3A_68] : memref<100000x64xf32, #tpu.memory_space<hbm>> -> memref<100000x64xf32, #tpu.memory_space<hbm>>
    tpu.enqueue_indirect_dma source(%dma_start3A_69 : memref<100000x64xf32, #tpu.memory_space<hbm>>) target(%arg6 : memref<128x64xf32, #tpu.memory_space<vmem>>) offsets(%dma_start3A_66 : memref<128xi32, #tpu.memory_space<vmem>>) semaphore(%arg10 : memref<!tpu.dma_semaphore, #tpu.memory_space<semaphore_mem>>)
    %dma_wait3A_70 = arith.constant 2 : i32
    %dma_wait3A_71 = arith.constant 0 : i32
    %dma_wait3A_72 = tpu.memref_slice %arg5[%dma_wait3A_70, %dma_wait3A_71] : memref<200x128xi32, #tpu.memory_space<vmem>> -> memref<1x128xi32, #tpu.memory_space<vmem>>
    %dma_wait3A_73 = tpu.memref_squeeze %dma_wait3A_72 : memref<1x128xi32, #tpu.memory_space<vmem>> -> memref<128xi32, #tpu.memory_space<vmem>>
    %dma_wait3A_74 = arith.constant 0 : i32
    %dma_wait3A_75 = arith.constant 0 : i32
    %dma_wait3A_76 = tpu.memref_slice %arg2[%dma_wait3A_74, %dma_wait3A_75] : memref<100000x64xf32, #tpu.memory_space<hbm>> -> memref<100000x64xf32, #tpu.memory_space<hbm>>
    tpu.wait_indirect_dma semaphore(%arg12 : memref<!tpu.dma_semaphore, #tpu.memory_space<semaphore_mem>>) src(%dma_wait3A_76 : memref<100000x64xf32, #tpu.memory_space<hbm>>) dst(%arg8 : memref<128x64xf32, #tpu.memory_space<vmem>>)
    %add3A_77 = arith.constant 256 : i32
    %add3A_78 = arith.addi %mul3A_4, %add3A_77 : i32
    %dma_start3A_79 = arith.constant 0 : i32
    %dma_start3A_80 = tpu.memref_slice %arg4[%add3A_78, %dma_start3A_79] : memref<819200x64xf32, #tpu.memory_space<hbm>> -> memref<128x64xf32, #tpu.memory_space<hbm>>
    %dma_start3A_81 = arith.constant 0 : i32
    %dma_start3A_82 = tpu.memref_slice %arg4[%add3A_78, %dma_start3A_81] : memref<819200x64xf32, #tpu.memory_space<hbm>> -> memref<128x64xf32, #tpu.memory_space<hbm>>
    tpu.enqueue_dma source(%arg8 : memref<128x64xf32, #tpu.memory_space<vmem>>) target(%dma_start3A_82 : memref<128x64xf32, #tpu.memory_space<hbm>>) target_semaphore(%arg16 : memref<!tpu.dma_semaphore, #tpu.memory_space<semaphore_mem>>)
    %add3A_83 = arith.constant 128 : i32
    %add3A_84 = arith.addi %mul3A_4, %add3A_83 : i32
    %dma_wait3A_85 = arith.constant 0 : i32
    %dma_wait3A_86 = tpu.memref_slice %arg4[%add3A_84, %dma_wait3A_85] : memref<819200x64xf32, #tpu.memory_space<hbm>> -> memref<128x64xf32, #tpu.memory_space<hbm>>
    %dma_wait3A_87 = arith.constant 0 : i32
    %dma_wait3A_88 = tpu.memref_slice %arg4[%add3A_84, %dma_wait3A_87] : memref<819200x64xf32, #tpu.memory_space<hbm>> -> memref<128x64xf32, #tpu.memory_space<hbm>>
    tpu.wait_dma2 semaphore(%arg15 : memref<!tpu.dma_semaphore, #tpu.memory_space<semaphore_mem>>) src(%arg7 : memref<128x64xf32, #tpu.memory_space<vmem>>) dst(%dma_wait3A_88 : memref<128x64xf32, #tpu.memory_space<hbm>>)
    %dma_start3A_89 = arith.constant 5 : i32
    %dma_start3A_90 = arith.constant 0 : i32
    %dma_start3A_91 = tpu.memref_slice %arg5[%dma_start3A_89, %dma_start3A_90] : memref<200x128xi32, #tpu.memory_space<vmem>> -> memref<1x128xi32, #tpu.memory_space<vmem>>
    %dma_start3A_92 = tpu.memref_squeeze %dma_start3A_91 : memref<1x128xi32, #tpu.memory_space<vmem>> -> memref<128xi32, #tpu.memory_space<vmem>>
    %dma_start3A_93 = arith.constant 0 : i32
    %dma_start3A_94 = arith.constant 0 : i32
    %dma_start3A_95 = tpu.memref_slice %arg2[%dma_start3A_93, %dma_start3A_94] : memref<100000x64xf32, #tpu.memory_space<hbm>> -> memref<100000x64xf32, #tpu.memory_space<hbm>>
    tpu.enqueue_indirect_dma source(%dma_start3A_95 : memref<100000x64xf32, #tpu.memory_space<hbm>>) target(%arg7 : memref<128x64xf32, #tpu.memory_space<vmem>>) offsets(%dma_start3A_92 : memref<128xi32, #tpu.memory_space<vmem>>) semaphore(%arg11 : memref<!tpu.dma_semaphore, #tpu.memory_space<semaphore_mem>>)
    %dma_wait3A_96 = arith.constant 3 : i32
    %dma_wait3A_97 = arith.constant 0 : i32
    %dma_wait3A_98 = tpu.memref_slice %arg5[%dma_wait3A_96, %dma_wait3A_97] : memref<200x128xi32, #tpu.memory_space<vmem>> -> memref<1x128xi32, #tpu.memory_space<vmem>>
    %dma_wait3A_99 = tpu.memref_squeeze %dma_wait3A_98 : memref<1x128xi32, #tpu.memory_space<vmem>> -> memref<128xi32, #tpu.memory_space<vmem>>
    %dma_wait3A_100 = arith.constant 0 : i32
    %dma_wait3A_101 = arith.constant 0 : i32
    %dma_wait3A_102 = tpu.memref_slice %arg2[%dma_wait3A_100, %dma_wait3A_101] : memref<100000x64xf32, #tpu.memory_space<hbm>> -> memref<100000x64xf32, #tpu.memory_space<hbm>>
    tpu.wait_indirect_dma semaphore(%arg13 : memref<!tpu.dma_semaphore, #tpu.memory_space<semaphore_mem>>) src(%dma_wait3A_102 : memref<100000x64xf32, #tpu.memory_space<hbm>>) dst(%arg9 : memref<128x64xf32, #tpu.memory_space<vmem>>)
    %add3A_103 = arith.constant 384 : i32
    %add3A_104 = arith.addi %mul3A_4, %add3A_103 : i32
    %dma_start3A_105 = arith.constant 0 : i32
    %dma_start3A_106 = tpu.memref_slice %arg4[%add3A_104, %dma_start3A_105] : memref<819200x64xf32, #tpu.memory_space<hbm>> -> memref<128x64xf32, #tpu.memory_space<hbm>>
    %dma_start3A_107 = arith.constant 0 : i32
    %dma_start3A_108 = tpu.memref_slice %arg4[%add3A_104, %dma_start3A_107] : memref<819200x64xf32, #tpu.memory_space<hbm>> -> memref<128x64xf32, #tpu.memory_space<hbm>>
    tpu.enqueue_dma source(%arg9 : memref<128x64xf32, #tpu.memory_space<vmem>>) target(%dma_start3A_108 : memref<128x64xf32, #tpu.memory_space<hbm>>) target_semaphore(%arg17 : memref<!tpu.dma_semaphore, #tpu.memory_space<semaphore_mem>>)
    %add3A_109 = arith.constant 256 : i32
    %add3A_110 = arith.addi %mul3A_4, %add3A_109 : i32
    %dma_wait3A_111 = arith.constant 0 : i32
    %dma_wait3A_112 = tpu.memref_slice %arg4[%add3A_110, %dma_wait3A_111] : memref<819200x64xf32, #tpu.memory_space<hbm>> -> memref<128x64xf32, #tpu.memory_space<hbm>>
    %dma_wait3A_113 = arith.constant 0 : i32
    %dma_wait3A_114 = tpu.memref_slice %arg4[%add3A_110, %dma_wait3A_113] : memref<819200x64xf32, #tpu.memory_space<hbm>> -> memref<128x64xf32, #tpu.memory_space<hbm>>
    tpu.wait_dma2 semaphore(%arg16 : memref<!tpu.dma_semaphore, #tpu.memory_space<semaphore_mem>>) src(%arg8 : memref<128x64xf32, #tpu.memory_space<vmem>>) dst(%dma_wait3A_114 : memref<128x64xf32, #tpu.memory_space<hbm>>)
    %dma_start3A_115 = arith.constant 6 : i32
    %dma_start3A_116 = arith.constant 0 : i32
    %dma_start3A_117 = tpu.memref_slice %arg5[%dma_start3A_115, %dma_start3A_116] : memref<200x128xi32, #tpu.memory_space<vmem>> -> memref<1x128xi32, #tpu.memory_space<vmem>>
    %dma_start3A_118 = tpu.memref_squeeze %dma_start3A_117 : memref<1x128xi32, #tpu.memory_space<vmem>> -> memref<128xi32, #tpu.memory_space<vmem>>
    %dma_start3A_119 = arith.constant 0 : i32
    %dma_start3A_120 = arith.constant 0 : i32
    %dma_start3A_121 = tpu.memref_slice %arg2[%dma_start3A_119, %dma_start3A_120] : memref<100000x64xf32, #tpu.memory_space<hbm>> -> memref<100000x64xf32, #tpu.memory_space<hbm>>
    tpu.enqueue_indirect_dma source(%dma_start3A_121 : memref<100000x64xf32, #tpu.memory_space<hbm>>) target(%arg8 : memref<128x64xf32, #tpu.memory_space<vmem>>) offsets(%dma_start3A_118 : memref<128xi32, #tpu.memory_space<vmem>>) semaphore(%arg12 : memref<!tpu.dma_semaphore, #tpu.memory_space<semaphore_mem>>)
    %scan3A = arith.constant 0 : i32
    %scan3A_122 = arith.constant 1 : i32
    %scan3A_123 = arith.constant 48 : i32
    %scan3A_124 = arith.addi %scan3A_122, %scan3A_123 : i32
    %scan3A_125 = arith.constant 1 : i32
    scf.for %scan3A_216 = %scan3A_122 to %scan3A_124 step %scan3A_125  : i32 {
      %mul3A_217 = arith.constant 4 : i32
      %mul3A_218 = arith.muli %scan3A_216, %mul3A_217 : i32
      %add3A_219 = arith.constant 0 : i32
      %add3A_220 = arith.addi %mul3A_218, %add3A_219 : i32
      %dma_wait3A_221 = arith.constant 0 : i32
      %dma_wait3A_222 = tpu.memref_slice %arg5[%add3A_220, %dma_wait3A_221] : memref<200x128xi32, #tpu.memory_space<vmem>> -> memref<1x128xi32, #tpu.memory_space<vmem>>
      %dma_wait3A_223 = tpu.memref_squeeze %dma_wait3A_222 : memref<1x128xi32, #tpu.memory_space<vmem>> -> memref<128xi32, #tpu.memory_space<vmem>>
      %dma_wait3A_224 = arith.constant 0 : i32
      %dma_wait3A_225 = arith.constant 0 : i32
      %dma_wait3A_226 = tpu.memref_slice %arg2[%dma_wait3A_224, %dma_wait3A_225] : memref<100000x64xf32, #tpu.memory_space<hbm>> -> memref<100000x64xf32, #tpu.memory_space<hbm>>
      tpu.wait_indirect_dma semaphore(%arg10 : memref<!tpu.dma_semaphore, #tpu.memory_space<semaphore_mem>>) src(%dma_wait3A_226 : memref<100000x64xf32, #tpu.memory_space<hbm>>) dst(%arg6 : memref<128x64xf32, #tpu.memory_space<vmem>>)
      %mul3A_227 = arith.constant 128 : i32
      %mul3A_228 = arith.muli %add3A_220, %mul3A_227 : i32
      %add3A_229 = arith.addi %mul3A_4, %mul3A_228 : i32
      %dma_start3A_230 = arith.constant 0 : i32
      %dma_start3A_231 = tpu.memref_slice %arg4[%add3A_229, %dma_start3A_230] : memref<819200x64xf32, #tpu.memory_space<hbm>> -> memref<128x64xf32, #tpu.memory_space<hbm>>
      %dma_start3A_232 = arith.constant 0 : i32
      %dma_start3A_233 = tpu.memref_slice %arg4[%add3A_229, %dma_start3A_232] : memref<819200x64xf32, #tpu.memory_space<hbm>> -> memref<128x64xf32, #tpu.memory_space<hbm>>
      tpu.enqueue_dma source(%arg6 : memref<128x64xf32, #tpu.memory_space<vmem>>) target(%dma_start3A_233 : memref<128x64xf32, #tpu.memory_space<hbm>>) target_semaphore(%arg14 : memref<!tpu.dma_semaphore, #tpu.memory_space<semaphore_mem>>)
      %sub3A = arith.constant 1 : i32
      %sub3A_234 = arith.subi %add3A_220, %sub3A : i32
      %mul3A_235 = arith.constant 128 : i32
      %mul3A_236 = arith.muli %sub3A_234, %mul3A_235 : i32
      %add3A_237 = arith.addi %mul3A_4, %mul3A_236 : i32
      %dma_wait3A_238 = arith.constant 0 : i32
      %dma_wait3A_239 = tpu.memref_slice %arg4[%add3A_237, %dma_wait3A_238] : memref<819200x64xf32, #tpu.memory_space<hbm>> -> memref<128x64xf32, #tpu.memory_space<hbm>>
      %dma_wait3A_240 = arith.constant 0 : i32
      %dma_wait3A_241 = tpu.memref_slice %arg4[%add3A_237, %dma_wait3A_240] : memref<819200x64xf32, #tpu.memory_space<hbm>> -> memref<128x64xf32, #tpu.memory_space<hbm>>
      tpu.wait_dma2 semaphore(%arg17 : memref<!tpu.dma_semaphore, #tpu.memory_space<semaphore_mem>>) src(%arg9 : memref<128x64xf32, #tpu.memory_space<vmem>>) dst(%dma_wait3A_241 : memref<128x64xf32, #tpu.memory_space<hbm>>)
      %add3A_242 = arith.constant 4 : i32
      %add3A_243 = arith.addi %sub3A_234, %add3A_242 : i32
      %dma_start3A_244 = arith.constant 0 : i32
      %dma_start3A_245 = tpu.memref_slice %arg5[%add3A_243, %dma_start3A_244] : memref<200x128xi32, #tpu.memory_space<vmem>> -> memref<1x128xi32, #tpu.memory_space<vmem>>
      %dma_start3A_246 = tpu.memref_squeeze %dma_start3A_245 : memref<1x128xi32, #tpu.memory_space<vmem>> -> memref<128xi32, #tpu.memory_space<vmem>>
      %dma_start3A_247 = arith.constant 0 : i32
      %dma_start3A_248 = arith.constant 0 : i32
      %dma_start3A_249 = tpu.memref_slice %arg2[%dma_start3A_247, %dma_start3A_248] : memref<100000x64xf32, #tpu.memory_space<hbm>> -> memref<100000x64xf32, #tpu.memory_space<hbm>>
      tpu.enqueue_indirect_dma source(%dma_start3A_249 : memref<100000x64xf32, #tpu.memory_space<hbm>>) target(%arg9 : memref<128x64xf32, #tpu.memory_space<vmem>>) offsets(%dma_start3A_246 : memref<128xi32, #tpu.memory_space<vmem>>) semaphore(%arg13 : memref<!tpu.dma_semaphore, #tpu.memory_space<semaphore_mem>>)
      %mul3A_250 = arith.constant 4 : i32
      %mul3A_251 = arith.muli %scan3A_216, %mul3A_250 : i32
      %add3A_252 = arith.constant 1 : i32
      %add3A_253 = arith.addi %mul3A_251, %add3A_252 : i32
      %dma_wait3A_254 = arith.constant 0 : i32
      %dma_wait3A_255 = tpu.memref_slice %arg5[%add3A_253, %dma_wait3A_254] : memref<200x128xi32, #tpu.memory_space<vmem>> -> memref<1x128xi32, #tpu.memory_space<vmem>>
      %dma_wait3A_256 = tpu.memref_squeeze %dma_wait3A_255 : memref<1x128xi32, #tpu.memory_space<vmem>> -> memref<128xi32, #tpu.memory_space<vmem>>
      %dma_wait3A_257 = arith.constant 0 : i32
      %dma_wait3A_258 = arith.constant 0 : i32
      %dma_wait3A_259 = tpu.memref_slice %arg2[%dma_wait3A_257, %dma_wait3A_258] : memref<100000x64xf32, #tpu.memory_space<hbm>> -> memref<100000x64xf32, #tpu.memory_space<hbm>>
      tpu.wait_indirect_dma semaphore(%arg11 : memref<!tpu.dma_semaphore, #tpu.memory_space<semaphore_mem>>) src(%dma_wait3A_259 : memref<100000x64xf32, #tpu.memory_space<hbm>>) dst(%arg7 : memref<128x64xf32, #tpu.memory_space<vmem>>)
      %mul3A_260 = arith.constant 128 : i32
      %mul3A_261 = arith.muli %add3A_253, %mul3A_260 : i32
      %add3A_262 = arith.addi %mul3A_4, %mul3A_261 : i32
      %dma_start3A_263 = arith.constant 0 : i32
      %dma_start3A_264 = tpu.memref_slice %arg4[%add3A_262, %dma_start3A_263] : memref<819200x64xf32, #tpu.memory_space<hbm>> -> memref<128x64xf32, #tpu.memory_space<hbm>>
      %dma_start3A_265 = arith.constant 0 : i32
      %dma_start3A_266 = tpu.memref_slice %arg4[%add3A_262, %dma_start3A_265] : memref<819200x64xf32, #tpu.memory_space<hbm>> -> memref<128x64xf32, #tpu.memory_space<hbm>>
      tpu.enqueue_dma source(%arg7 : memref<128x64xf32, #tpu.memory_space<vmem>>) target(%dma_start3A_266 : memref<128x64xf32, #tpu.memory_space<hbm>>) target_semaphore(%arg15 : memref<!tpu.dma_semaphore, #tpu.memory_space<semaphore_mem>>)
      %sub3A_267 = arith.constant 1 : i32
      %sub3A_268 = arith.subi %add3A_253, %sub3A_267 : i32
      %mul3A_269 = arith.constant 128 : i32
      %mul3A_270 = arith.muli %sub3A_268, %mul3A_269 : i32
      %add3A_271 = arith.addi %mul3A_4, %mul3A_270 : i32
      %dma_wait3A_272 = arith.constant 0 : i32
      %dma_wait3A_273 = tpu.memref_slice %arg4[%add3A_271, %dma_wait3A_272] : memref<819200x64xf32, #tpu.memory_space<hbm>> -> memref<128x64xf32, #tpu.memory_space<hbm>>
      %dma_wait3A_274 = arith.constant 0 : i32
      %dma_wait3A_275 = tpu.memref_slice %arg4[%add3A_271, %dma_wait3A_274] : memref<819200x64xf32, #tpu.memory_space<hbm>> -> memref<128x64xf32, #tpu.memory_space<hbm>>
      tpu.wait_dma2 semaphore(%arg14 : memref<!tpu.dma_semaphore, #tpu.memory_space<semaphore_mem>>) src(%arg6 : memref<128x64xf32, #tpu.memory_space<vmem>>) dst(%dma_wait3A_275 : memref<128x64xf32, #tpu.memory_space<hbm>>)
      %add3A_276 = arith.constant 4 : i32
      %add3A_277 = arith.addi %sub3A_268, %add3A_276 : i32
      %dma_start3A_278 = arith.constant 0 : i32
      %dma_start3A_279 = tpu.memref_slice %arg5[%add3A_277, %dma_start3A_278] : memref<200x128xi32, #tpu.memory_space<vmem>> -> memref<1x128xi32, #tpu.memory_space<vmem>>
      %dma_start3A_280 = tpu.memref_squeeze %dma_start3A_279 : memref<1x128xi32, #tpu.memory_space<vmem>> -> memref<128xi32, #tpu.memory_space<vmem>>
      %dma_start3A_281 = arith.constant 0 : i32
      %dma_start3A_282 = arith.constant 0 : i32
      %dma_start3A_283 = tpu.memref_slice %arg2[%dma_start3A_281, %dma_start3A_282] : memref<100000x64xf32, #tpu.memory_space<hbm>> -> memref<100000x64xf32, #tpu.memory_space<hbm>>
      tpu.enqueue_indirect_dma source(%dma_start3A_283 : memref<100000x64xf32, #tpu.memory_space<hbm>>) target(%arg6 : memref<128x64xf32, #tpu.memory_space<vmem>>) offsets(%dma_start3A_280 : memref<128xi32, #tpu.memory_space<vmem>>) semaphore(%arg10 : memref<!tpu.dma_semaphore, #tpu.memory_space<semaphore_mem>>)
      %mul3A_284 = arith.constant 4 : i32
      %mul3A_285 = arith.muli %scan3A_216, %mul3A_284 : i32
      %add3A_286 = arith.constant 2 : i32
      %add3A_287 = arith.addi %mul3A_285, %add3A_286 : i32
      %dma_wait3A_288 = arith.constant 0 : i32
      %dma_wait3A_289 = tpu.memref_slice %arg5[%add3A_287, %dma_wait3A_288] : memref<200x128xi32, #tpu.memory_space<vmem>> -> memref<1x128xi32, #tpu.memory_space<vmem>>
      %dma_wait3A_290 = tpu.memref_squeeze %dma_wait3A_289 : memref<1x128xi32, #tpu.memory_space<vmem>> -> memref<128xi32, #tpu.memory_space<vmem>>
      %dma_wait3A_291 = arith.constant 0 : i32
      %dma_wait3A_292 = arith.constant 0 : i32
      %dma_wait3A_293 = tpu.memref_slice %arg2[%dma_wait3A_291, %dma_wait3A_292] : memref<100000x64xf32, #tpu.memory_space<hbm>> -> memref<100000x64xf32, #tpu.memory_space<hbm>>
      tpu.wait_indirect_dma semaphore(%arg12 : memref<!tpu.dma_semaphore, #tpu.memory_space<semaphore_mem>>) src(%dma_wait3A_293 : memref<100000x64xf32, #tpu.memory_space<hbm>>) dst(%arg8 : memref<128x64xf32, #tpu.memory_space<vmem>>)
      %mul3A_294 = arith.constant 128 : i32
      %mul3A_295 = arith.muli %add3A_287, %mul3A_294 : i32
      %add3A_296 = arith.addi %mul3A_4, %mul3A_295 : i32
      %dma_start3A_297 = arith.constant 0 : i32
      %dma_start3A_298 = tpu.memref_slice %arg4[%add3A_296, %dma_start3A_297] : memref<819200x64xf32, #tpu.memory_space<hbm>> -> memref<128x64xf32, #tpu.memory_space<hbm>>
      %dma_start3A_299 = arith.constant 0 : i32
      %dma_start3A_300 = tpu.memref_slice %arg4[%add3A_296, %dma_start3A_299] : memref<819200x64xf32, #tpu.memory_space<hbm>> -> memref<128x64xf32, #tpu.memory_space<hbm>>
      tpu.enqueue_dma source(%arg8 : memref<128x64xf32, #tpu.memory_space<vmem>>) target(%dma_start3A_300 : memref<128x64xf32, #tpu.memory_space<hbm>>) target_semaphore(%arg16 : memref<!tpu.dma_semaphore, #tpu.memory_space<semaphore_mem>>)
      %sub3A_301 = arith.constant 1 : i32
      %sub3A_302 = arith.subi %add3A_287, %sub3A_301 : i32
      %mul3A_303 = arith.constant 128 : i32
      %mul3A_304 = arith.muli %sub3A_302, %mul3A_303 : i32
      %add3A_305 = arith.addi %mul3A_4, %mul3A_304 : i32
      %dma_wait3A_306 = arith.constant 0 : i32
      %dma_wait3A_307 = tpu.memref_slice %arg4[%add3A_305, %dma_wait3A_306] : memref<819200x64xf32, #tpu.memory_space<hbm>> -> memref<128x64xf32, #tpu.memory_space<hbm>>
      %dma_wait3A_308 = arith.constant 0 : i32
      %dma_wait3A_309 = tpu.memref_slice %arg4[%add3A_305, %dma_wait3A_308] : memref<819200x64xf32, #tpu.memory_space<hbm>> -> memref<128x64xf32, #tpu.memory_space<hbm>>
      tpu.wait_dma2 semaphore(%arg15 : memref<!tpu.dma_semaphore, #tpu.memory_space<semaphore_mem>>) src(%arg7 : memref<128x64xf32, #tpu.memory_space<vmem>>) dst(%dma_wait3A_309 : memref<128x64xf32, #tpu.memory_space<hbm>>)
      %add3A_310 = arith.constant 4 : i32
      %add3A_311 = arith.addi %sub3A_302, %add3A_310 : i32
      %dma_start3A_312 = arith.constant 0 : i32
      %dma_start3A_313 = tpu.memref_slice %arg5[%add3A_311, %dma_start3A_312] : memref<200x128xi32, #tpu.memory_space<vmem>> -> memref<1x128xi32, #tpu.memory_space<vmem>>
      %dma_start3A_314 = tpu.memref_squeeze %dma_start3A_313 : memref<1x128xi32, #tpu.memory_space<vmem>> -> memref<128xi32, #tpu.memory_space<vmem>>
      %dma_start3A_315 = arith.constant 0 : i32
      %dma_start3A_316 = arith.constant 0 : i32
      %dma_start3A_317 = tpu.memref_slice %arg2[%dma_start3A_315, %dma_start3A_316] : memref<100000x64xf32, #tpu.memory_space<hbm>> -> memref<100000x64xf32, #tpu.memory_space<hbm>>
      tpu.enqueue_indirect_dma source(%dma_start3A_317 : memref<100000x64xf32, #tpu.memory_space<hbm>>) target(%arg7 : memref<128x64xf32, #tpu.memory_space<vmem>>) offsets(%dma_start3A_314 : memref<128xi32, #tpu.memory_space<vmem>>) semaphore(%arg11 : memref<!tpu.dma_semaphore, #tpu.memory_space<semaphore_mem>>)
      %mul3A_318 = arith.constant 4 : i32
      %mul3A_319 = arith.muli %scan3A_216, %mul3A_318 : i32
      %add3A_320 = arith.constant 3 : i32
      %add3A_321 = arith.addi %mul3A_319, %add3A_320 : i32
      %dma_wait3A_322 = arith.constant 0 : i32
      %dma_wait3A_323 = tpu.memref_slice %arg5[%add3A_321, %dma_wait3A_322] : memref<200x128xi32, #tpu.memory_space<vmem>> -> memref<1x128xi32, #tpu.memory_space<vmem>>
      %dma_wait3A_324 = tpu.memref_squeeze %dma_wait3A_323 : memref<1x128xi32, #tpu.memory_space<vmem>> -> memref<128xi32, #tpu.memory_space<vmem>>
      %dma_wait3A_325 = arith.constant 0 : i32
      %dma_wait3A_326 = arith.constant 0 : i32
      %dma_wait3A_327 = tpu.memref_slice %arg2[%dma_wait3A_325, %dma_wait3A_326] : memref<100000x64xf32, #tpu.memory_space<hbm>> -> memref<100000x64xf32, #tpu.memory_space<hbm>>
      tpu.wait_indirect_dma semaphore(%arg13 : memref<!tpu.dma_semaphore, #tpu.memory_space<semaphore_mem>>) src(%dma_wait3A_327 : memref<100000x64xf32, #tpu.memory_space<hbm>>) dst(%arg9 : memref<128x64xf32, #tpu.memory_space<vmem>>)
      %mul3A_328 = arith.constant 128 : i32
      %mul3A_329 = arith.muli %add3A_321, %mul3A_328 : i32
      %add3A_330 = arith.addi %mul3A_4, %mul3A_329 : i32
      %dma_start3A_331 = arith.constant 0 : i32
      %dma_start3A_332 = tpu.memref_slice %arg4[%add3A_330, %dma_start3A_331] : memref<819200x64xf32, #tpu.memory_space<hbm>> -> memref<128x64xf32, #tpu.memory_space<hbm>>
      %dma_start3A_333 = arith.constant 0 : i32
      %dma_start3A_334 = tpu.memref_slice %arg4[%add3A_330, %dma_start3A_333] : memref<819200x64xf32, #tpu.memory_space<hbm>> -> memref<128x64xf32, #tpu.memory_space<hbm>>
      tpu.enqueue_dma source(%arg9 : memref<128x64xf32, #tpu.memory_space<vmem>>) target(%dma_start3A_334 : memref<128x64xf32, #tpu.memory_space<hbm>>) target_semaphore(%arg17 : memref<!tpu.dma_semaphore, #tpu.memory_space<semaphore_mem>>)
      %sub3A_335 = arith.constant 1 : i32
      %sub3A_336 = arith.subi %add3A_321, %sub3A_335 : i32
      %mul3A_337 = arith.constant 128 : i32
      %mul3A_338 = arith.muli %sub3A_336, %mul3A_337 : i32
      %add3A_339 = arith.addi %mul3A_4, %mul3A_338 : i32
      %dma_wait3A_340 = arith.constant 0 : i32
      %dma_wait3A_341 = tpu.memref_slice %arg4[%add3A_339, %dma_wait3A_340] : memref<819200x64xf32, #tpu.memory_space<hbm>> -> memref<128x64xf32, #tpu.memory_space<hbm>>
      %dma_wait3A_342 = arith.constant 0 : i32
      %dma_wait3A_343 = tpu.memref_slice %arg4[%add3A_339, %dma_wait3A_342] : memref<819200x64xf32, #tpu.memory_space<hbm>> -> memref<128x64xf32, #tpu.memory_space<hbm>>
      tpu.wait_dma2 semaphore(%arg16 : memref<!tpu.dma_semaphore, #tpu.memory_space<semaphore_mem>>) src(%arg8 : memref<128x64xf32, #tpu.memory_space<vmem>>) dst(%dma_wait3A_343 : memref<128x64xf32, #tpu.memory_space<hbm>>)
      %add3A_344 = arith.constant 4 : i32
      %add3A_345 = arith.addi %sub3A_336, %add3A_344 : i32
      %dma_start3A_346 = arith.constant 0 : i32
      %dma_start3A_347 = tpu.memref_slice %arg5[%add3A_345, %dma_start3A_346] : memref<200x128xi32, #tpu.memory_space<vmem>> -> memref<1x128xi32, #tpu.memory_space<vmem>>
      %dma_start3A_348 = tpu.memref_squeeze %dma_start3A_347 : memref<1x128xi32, #tpu.memory_space<vmem>> -> memref<128xi32, #tpu.memory_space<vmem>>
      %dma_start3A_349 = arith.constant 0 : i32
      %dma_start3A_350 = arith.constant 0 : i32
      %dma_start3A_351 = tpu.memref_slice %arg2[%dma_start3A_349, %dma_start3A_350] : memref<100000x64xf32, #tpu.memory_space<hbm>> -> memref<100000x64xf32, #tpu.memory_space<hbm>>
      tpu.enqueue_indirect_dma source(%dma_start3A_351 : memref<100000x64xf32, #tpu.memory_space<hbm>>) target(%arg8 : memref<128x64xf32, #tpu.memory_space<vmem>>) offsets(%dma_start3A_348 : memref<128xi32, #tpu.memory_space<vmem>>) semaphore(%arg12 : memref<!tpu.dma_semaphore, #tpu.memory_space<semaphore_mem>>)
    }
    %scan3A_126 = arith.constant 48 : i32
    %dma_wait3A_127 = arith.constant 196 : i32
    %dma_wait3A_128 = arith.constant 0 : i32
    %dma_wait3A_129 = tpu.memref_slice %arg5[%dma_wait3A_127, %dma_wait3A_128] : memref<200x128xi32, #tpu.memory_space<vmem>> -> memref<1x128xi32, #tpu.memory_space<vmem>>
    %dma_wait3A_130 = tpu.memref_squeeze %dma_wait3A_129 : memref<1x128xi32, #tpu.memory_space<vmem>> -> memref<128xi32, #tpu.memory_space<vmem>>
    %dma_wait3A_131 = arith.constant 0 : i32
    %dma_wait3A_132 = arith.constant 0 : i32
    %dma_wait3A_133 = tpu.memref_slice %arg2[%dma_wait3A_131, %dma_wait3A_132] : memref<100000x64xf32, #tpu.memory_space<hbm>> -> memref<100000x64xf32, #tpu.memory_space<hbm>>
    tpu.wait_indirect_dma semaphore(%arg10 : memref<!tpu.dma_semaphore, #tpu.memory_space<semaphore_mem>>) src(%dma_wait3A_133 : memref<100000x64xf32, #tpu.memory_space<hbm>>) dst(%arg6 : memref<128x64xf32, #tpu.memory_space<vmem>>)
    %add3A_134 = arith.constant 25088 : i32
    %add3A_135 = arith.addi %mul3A_4, %add3A_134 : i32
    %dma_start3A_136 = arith.constant 0 : i32
    %dma_start3A_137 = tpu.memref_slice %arg4[%add3A_135, %dma_start3A_136] : memref<819200x64xf32, #tpu.memory_space<hbm>> -> memref<128x64xf32, #tpu.memory_space<hbm>>
    %dma_start3A_138 = arith.constant 0 : i32
    %dma_start3A_139 = tpu.memref_slice %arg4[%add3A_135, %dma_start3A_138] : memref<819200x64xf32, #tpu.memory_space<hbm>> -> memref<128x64xf32, #tpu.memory_space<hbm>>
    tpu.enqueue_dma source(%arg6 : memref<128x64xf32, #tpu.memory_space<vmem>>) target(%dma_start3A_139 : memref<128x64xf32, #tpu.memory_space<hbm>>) target_semaphore(%arg14 : memref<!tpu.dma_semaphore, #tpu.memory_space<semaphore_mem>>)
    %add3A_140 = arith.constant 24960 : i32
    %add3A_141 = arith.addi %mul3A_4, %add3A_140 : i32
    %dma_wait3A_142 = arith.constant 0 : i32
    %dma_wait3A_143 = tpu.memref_slice %arg4[%add3A_141, %dma_wait3A_142] : memref<819200x64xf32, #tpu.memory_space<hbm>> -> memref<128x64xf32, #tpu.memory_space<hbm>>
    %dma_wait3A_144 = arith.constant 0 : i32
    %dma_wait3A_145 = tpu.memref_slice %arg4[%add3A_141, %dma_wait3A_144] : memref<819200x64xf32, #tpu.memory_space<hbm>> -> memref<128x64xf32, #tpu.memory_space<hbm>>
    tpu.wait_dma2 semaphore(%arg17 : memref<!tpu.dma_semaphore, #tpu.memory_space<semaphore_mem>>) src(%arg9 : memref<128x64xf32, #tpu.memory_space<vmem>>) dst(%dma_wait3A_145 : memref<128x64xf32, #tpu.memory_space<hbm>>)
    %dma_start3A_146 = arith.constant 199 : i32
    %dma_start3A_147 = arith.constant 0 : i32
    %dma_start3A_148 = tpu.memref_slice %arg5[%dma_start3A_146, %dma_start3A_147] : memref<200x128xi32, #tpu.memory_space<vmem>> -> memref<1x128xi32, #tpu.memory_space<vmem>>
    %dma_start3A_149 = tpu.memref_squeeze %dma_start3A_148 : memref<1x128xi32, #tpu.memory_space<vmem>> -> memref<128xi32, #tpu.memory_space<vmem>>
    %dma_start3A_150 = arith.constant 0 : i32
    %dma_start3A_151 = arith.constant 0 : i32
    %dma_start3A_152 = tpu.memref_slice %arg2[%dma_start3A_150, %dma_start3A_151] : memref<100000x64xf32, #tpu.memory_space<hbm>> -> memref<100000x64xf32, #tpu.memory_space<hbm>>
    tpu.enqueue_indirect_dma source(%dma_start3A_152 : memref<100000x64xf32, #tpu.memory_space<hbm>>) target(%arg9 : memref<128x64xf32, #tpu.memory_space<vmem>>) offsets(%dma_start3A_149 : memref<128xi32, #tpu.memory_space<vmem>>) semaphore(%arg13 : memref<!tpu.dma_semaphore, #tpu.memory_space<semaphore_mem>>)
    %dma_wait3A_153 = arith.constant 197 : i32
    %dma_wait3A_154 = arith.constant 0 : i32
    %dma_wait3A_155 = tpu.memref_slice %arg5[%dma_wait3A_153, %dma_wait3A_154] : memref<200x128xi32, #tpu.memory_space<vmem>> -> memref<1x128xi32, #tpu.memory_space<vmem>>
    %dma_wait3A_156 = tpu.memref_squeeze %dma_wait3A_155 : memref<1x128xi32, #tpu.memory_space<vmem>> -> memref<128xi32, #tpu.memory_space<vmem>>
    %dma_wait3A_157 = arith.constant 0 : i32
    %dma_wait3A_158 = arith.constant 0 : i32
    %dma_wait3A_159 = tpu.memref_slice %arg2[%dma_wait3A_157, %dma_wait3A_158] : memref<100000x64xf32, #tpu.memory_space<hbm>> -> memref<100000x64xf32, #tpu.memory_space<hbm>>
    tpu.wait_indirect_dma semaphore(%arg11 : memref<!tpu.dma_semaphore, #tpu.memory_space<semaphore_mem>>) src(%dma_wait3A_159 : memref<100000x64xf32, #tpu.memory_space<hbm>>) dst(%arg7 : memref<128x64xf32, #tpu.memory_space<vmem>>)
    %add3A_160 = arith.constant 25216 : i32
    %add3A_161 = arith.addi %mul3A_4, %add3A_160 : i32
    %dma_start3A_162 = arith.constant 0 : i32
    %dma_start3A_163 = tpu.memref_slice %arg4[%add3A_161, %dma_start3A_162] : memref<819200x64xf32, #tpu.memory_space<hbm>> -> memref<128x64xf32, #tpu.memory_space<hbm>>
    %dma_start3A_164 = arith.constant 0 : i32
    %dma_start3A_165 = tpu.memref_slice %arg4[%add3A_161, %dma_start3A_164] : memref<819200x64xf32, #tpu.memory_space<hbm>> -> memref<128x64xf32, #tpu.memory_space<hbm>>
    tpu.enqueue_dma source(%arg7 : memref<128x64xf32, #tpu.memory_space<vmem>>) target(%dma_start3A_165 : memref<128x64xf32, #tpu.memory_space<hbm>>) target_semaphore(%arg15 : memref<!tpu.dma_semaphore, #tpu.memory_space<semaphore_mem>>)
    %dma_wait3A_166 = arith.constant 198 : i32
    %dma_wait3A_167 = arith.constant 0 : i32
    %dma_wait3A_168 = tpu.memref_slice %arg5[%dma_wait3A_166, %dma_wait3A_167] : memref<200x128xi32, #tpu.memory_space<vmem>> -> memref<1x128xi32, #tpu.memory_space<vmem>>
    %dma_wait3A_169 = tpu.memref_squeeze %dma_wait3A_168 : memref<1x128xi32, #tpu.memory_space<vmem>> -> memref<128xi32, #tpu.memory_space<vmem>>
    %dma_wait3A_170 = arith.constant 0 : i32
    %dma_wait3A_171 = arith.constant 0 : i32
    %dma_wait3A_172 = tpu.memref_slice %arg2[%dma_wait3A_170, %dma_wait3A_171] : memref<100000x64xf32, #tpu.memory_space<hbm>> -> memref<100000x64xf32, #tpu.memory_space<hbm>>
    tpu.wait_indirect_dma semaphore(%arg12 : memref<!tpu.dma_semaphore, #tpu.memory_space<semaphore_mem>>) src(%dma_wait3A_172 : memref<100000x64xf32, #tpu.memory_space<hbm>>) dst(%arg8 : memref<128x64xf32, #tpu.memory_space<vmem>>)
    %add3A_173 = arith.constant 25344 : i32
    %add3A_174 = arith.addi %mul3A_4, %add3A_173 : i32
    %dma_start3A_175 = arith.constant 0 : i32
    %dma_start3A_176 = tpu.memref_slice %arg4[%add3A_174, %dma_start3A_175] : memref<819200x64xf32, #tpu.memory_space<hbm>> -> memref<128x64xf32, #tpu.memory_space<hbm>>
    %dma_start3A_177 = arith.constant 0 : i32
    %dma_start3A_178 = tpu.memref_slice %arg4[%add3A_174, %dma_start3A_177] : memref<819200x64xf32, #tpu.memory_space<hbm>> -> memref<128x64xf32, #tpu.memory_space<hbm>>
    tpu.enqueue_dma source(%arg8 : memref<128x64xf32, #tpu.memory_space<vmem>>) target(%dma_start3A_178 : memref<128x64xf32, #tpu.memory_space<hbm>>) target_semaphore(%arg16 : memref<!tpu.dma_semaphore, #tpu.memory_space<semaphore_mem>>)
    %dma_wait3A_179 = arith.constant 199 : i32
    %dma_wait3A_180 = arith.constant 0 : i32
    %dma_wait3A_181 = tpu.memref_slice %arg5[%dma_wait3A_179, %dma_wait3A_180] : memref<200x128xi32, #tpu.memory_space<vmem>> -> memref<1x128xi32, #tpu.memory_space<vmem>>
    %dma_wait3A_182 = tpu.memref_squeeze %dma_wait3A_181 : memref<1x128xi32, #tpu.memory_space<vmem>> -> memref<128xi32, #tpu.memory_space<vmem>>
    %dma_wait3A_183 = arith.constant 0 : i32
    %dma_wait3A_184 = arith.constant 0 : i32
    %dma_wait3A_185 = tpu.memref_slice %arg2[%dma_wait3A_183, %dma_wait3A_184] : memref<100000x64xf32, #tpu.memory_space<hbm>> -> memref<100000x64xf32, #tpu.memory_space<hbm>>
    tpu.wait_indirect_dma semaphore(%arg13 : memref<!tpu.dma_semaphore, #tpu.memory_space<semaphore_mem>>) src(%dma_wait3A_185 : memref<100000x64xf32, #tpu.memory_space<hbm>>) dst(%arg9 : memref<128x64xf32, #tpu.memory_space<vmem>>)
    %add3A_186 = arith.constant 25472 : i32
    %add3A_187 = arith.addi %mul3A_4, %add3A_186 : i32
    %dma_start3A_188 = arith.constant 0 : i32
    %dma_start3A_189 = tpu.memref_slice %arg4[%add3A_187, %dma_start3A_188] : memref<819200x64xf32, #tpu.memory_space<hbm>> -> memref<128x64xf32, #tpu.memory_space<hbm>>
    %dma_start3A_190 = arith.constant 0 : i32
    %dma_start3A_191 = tpu.memref_slice %arg4[%add3A_187, %dma_start3A_190] : memref<819200x64xf32, #tpu.memory_space<hbm>> -> memref<128x64xf32, #tpu.memory_space<hbm>>
    tpu.enqueue_dma source(%arg9 : memref<128x64xf32, #tpu.memory_space<vmem>>) target(%dma_start3A_191 : memref<128x64xf32, #tpu.memory_space<hbm>>) target_semaphore(%arg17 : memref<!tpu.dma_semaphore, #tpu.memory_space<semaphore_mem>>)
    %add3A_192 = arith.constant 25088 : i32
    %add3A_193 = arith.addi %mul3A_4, %add3A_192 : i32
    %dma_wait3A_194 = arith.constant 0 : i32
    %dma_wait3A_195 = tpu.memref_slice %arg4[%add3A_193, %dma_wait3A_194] : memref<819200x64xf32, #tpu.memory_space<hbm>> -> memref<128x64xf32, #tpu.memory_space<hbm>>
    %dma_wait3A_196 = arith.constant 0 : i32
    %dma_wait3A_197 = tpu.memref_slice %arg4[%add3A_193, %dma_wait3A_196] : memref<819200x64xf32, #tpu.memory_space<hbm>> -> memref<128x64xf32, #tpu.memory_space<hbm>>
    tpu.wait_dma2 semaphore(%arg14 : memref<!tpu.dma_semaphore, #tpu.memory_space<semaphore_mem>>) src(%arg6 : memref<128x64xf32, #tpu.memory_space<vmem>>) dst(%dma_wait3A_197 : memref<128x64xf32, #tpu.memory_space<hbm>>)
    %add3A_198 = arith.constant 25216 : i32
    %add3A_199 = arith.addi %mul3A_4, %add3A_198 : i32
    %dma_wait3A_200 = arith.constant 0 : i32
    %dma_wait3A_201 = tpu.memref_slice %arg4[%add3A_199, %dma_wait3A_200] : memref<819200x64xf32, #tpu.memory_space<hbm>> -> memref<128x64xf32, #tpu.memory_space<hbm>>
    %dma_wait3A_202 = arith.constant 0 : i32
    %dma_wait3A_203 = tpu.memref_slice %arg4[%add3A_199, %dma_wait3A_202] : memref<819200x64xf32, #tpu.memory_space<hbm>> -> memref<128x64xf32, #tpu.memory_space<hbm>>
    tpu.wait_dma2 semaphore(%arg15 : memref<!tpu.dma_semaphore, #tpu.memory_space<semaphore_mem>>) src(%arg7 : memref<128x64xf32, #tpu.memory_space<vmem>>) dst(%dma_wait3A_203 : memref<128x64xf32, #tpu.memory_space<hbm>>)
    %add3A_204 = arith.constant 25344 : i32
    %add3A_205 = arith.addi %mul3A_4, %add3A_204 : i32
    %dma_wait3A_206 = arith.constant 0 : i32
    %dma_wait3A_207 = tpu.memref_slice %arg4[%add3A_205, %dma_wait3A_206] : memref<819200x64xf32, #tpu.memory_space<hbm>> -> memref<128x64xf32, #tpu.memory_space<hbm>>
    %dma_wait3A_208 = arith.constant 0 : i32
    %dma_wait3A_209 = tpu.memref_slice %arg4[%add3A_205, %dma_wait3A_208] : memref<819200x64xf32, #tpu.memory_space<hbm>> -> memref<128x64xf32, #tpu.memory_space<hbm>>
    tpu.wait_dma2 semaphore(%arg16 : memref<!tpu.dma_semaphore, #tpu.memory_space<semaphore_mem>>) src(%arg8 : memref<128x64xf32, #tpu.memory_space<vmem>>) dst(%dma_wait3A_209 : memref<128x64xf32, #tpu.memory_space<hbm>>)
    %add3A_210 = arith.constant 25472 : i32
    %add3A_211 = arith.addi %mul3A_4, %add3A_210 : i32
    %dma_wait3A_212 = arith.constant 0 : i32
    %dma_wait3A_213 = tpu.memref_slice %arg4[%add3A_211, %dma_wait3A_212] : memref<819200x64xf32, #tpu.memory_space<hbm>> -> memref<128x64xf32, #tpu.memory_space<hbm>>
    %dma_wait3A_214 = arith.constant 0 : i32
    %dma_wait3A_215 = tpu.memref_slice %arg4[%add3A_211, %dma_wait3A_214] : memref<819200x64xf32, #tpu.memory_space<hbm>> -> memref<128x64xf32, #tpu.memory_space<hbm>>
    tpu.wait_dma2 semaphore(%arg17 : memref<!tpu.dma_semaphore, #tpu.memory_space<semaphore_mem>>) src(%arg9 : memref<128x64xf32, #tpu.memory_space<vmem>>) dst(%dma_wait3A_215 : memref<128x64xf32, #tpu.memory_space<hbm>>)
    return
  }
}

</mosaic_0001>

<sc_bundles>
// kernel: kernel.3.cloned.1.call-start
scs
__scs_entry_jumppad:
0x0: {  	(pc) =	sbr.rel $0x88, $3  }
0x1: {  	(tag) =	ssettag $0x0;
	lr =	simm.s32 $0x1  }
0x2: {  	[smem:$0x3F9F] =	sst lr;
	_ =	strace $0xD0000000  }
0x3: {  	_ = 	snop  }
0x4: {  	_ = 	snop  }
0x5: {  	_ = 	snop  }
0x6: {  	_ = 	snop  }
0x7: {  	_ = 	snop  }
__scs_overlays_trampoline_lowered:
0x8: {  	[smem:$0x3FAE] =	sst s0  }
0x9: {  	[smem:$0x3FAF] =	sst s1  }
0xa: {  	[smem:$0x3FB0] =	sst s2  }
0xb: {  	[smem:$0x3FB1] =	sst s3  }
0xc: {  	[smem:$0x3FB2] =	sst s4  }
0xd: {  	[smem:$0x3FB3] =	sst s5  }
0xe: {  	[smem:$0x3FB4] =	sst s6  }
0xf: {  	[smem:$0x3FB5] =	sst s7  }
0x10: {  	[smem:$0x3FB6] =	sst s8  }
0x11: {  	[smem:$0x3FB7] =	sst s9;
	s0 =	simm.s32 @!p0 $0x0  }
0x12: {  	s1 =	sld [smem:$0x3F9D];
	s0 =	simm.s32 @p0 $0x1  }
0x13: {  	[smem:$0x3FB8] =	sst s0;
	s0 =	simm.s32 @!p1 $0x0  }
0x14: {  	s2 =	sld [smem:$0x3F9C];
	s0 =	simm.s32 @p1 $0x1  }
0x15: {  	[smem:$0x3FB9] =	sst s0;
	s0 =	simm.s32 @!p2 $0x0  }
0x16: {  	s3 =	sld [smem:$0x3FDB];
	s0 =	simm.s32 @p2 $0x1  }
0x17: {  	s4 =	simm.s32 $0x1BF5;
	[smem:$0x3FBB] =	sst s0  }
0x18: {  	s0 =	sld [smem:$0x3F9E];
	_ =	swait.ge [sflag:s4], $0x0  }
0x19: {  	s7 =	sld [smem:$0x3F9F]  }
0x1a: {  	s8 =	sadd.s32 $0xFFFFE003, lr  }
0x1b: {  	s9 =	sadd.s32 $0xFFFFFEF7, lr;
	s5 =	simm.s32 $0xFFFFFFFF;
	p2 =	slt.u32 s8, $0xFFFFF086  }
0x1c: {  	p1 =	slt.u32 s9, $0xF7A;
	s5 =	simm.s32 @!p2 $0x0  }
0x1d: {  	s5 =	simm.s32 @p1 $0x1;
	p0 =	seq.s32 s7, s2  }
0x1e: {  	s7 =	smul.u32 @!p0 $0xF7A, s2;
	p2 =	seq.s32 @!p0 s5, $0x0  }
0x1f: {  	s9 =	smul.u32 $0xF7A, s1;
	s8 =	simm.s32 @!p0 $0x1BF5;
	p2 =	por !p2, p0  }
0x20: {  	[sflag:s8] =	ssyncset.s32 @!p0 $0xFFFFF086;
	s6 =	sadd.s32 @!p0 s3, s7;
	s7 =	simm.s32 @!p0 $0x108  }
0x21: {  	s3 =	sadd.s32 s3, s9;
	s6 =	sadd.s32 @!p0 $0x88, s6;
	s7 =	simm.s32 @p2 $0x1082  }
0x22: {  	[simem:s7], [sflag:s8] =	dma.local @!p0 [hbm:s6], $0xF7A  }
0x23: {  	s9 =	sor.u32 $0xD0000000, s2;
	s6 =	simm.s32 $0x108;
	_ =	swait.ge @!p0 [sflag:s8], $0x0  }
0x24: {  	s3 =	sadd.s32 $0x88, s3;
	s6 =	simm.s32 @!p1 $0x1082;
	[sflag:s4] =	ssyncset.s32 $0xFFFFF086  }
0x25: {  	[simem:s6], [sflag:s4] =	dma.local [hbm:s3], $0xF7A  }
0x26: {  	[smem:$0x3F9F] =	sst s1;
	(tag) =	ssettag s2;
	_ =	strace s9  }
0x27: {  	s1 =	sld [smem:$0x3FAF]  }
0x28: {  	s2 =	sld [smem:$0x3FB0]  }
0x29: {  	s4 =	sld [smem:$0x3FB2]  }
0x2a: {  	p0 =	seq.s32 s5, $0x0;
	s5 =	sld [smem:$0x3FB3]  }
0x2b: {  	s6 =	sld [smem:$0x3FB4]  }
0x2c: {  	s7 =	sld [smem:$0x3FB5]  }
0x2d: {  	s3 =	simm.s32 $0x108;
	s8 =	sld [smem:$0x3FB6]  }
0x2e: {  	s3 =	simm.s32 @!p0 $0x1082;
	s9 =	sld [smem:$0x3FB7]  }
0x2f: {  	lr =	sadd.s32 s0, s3;
	s0 =	sld [smem:$0x3FAE]  }
0x30: {  	s3 =	sld [smem:$0x3FB1]  }
0x31: {  	[smem:$0x3FBA] =	sst s10  }
0x32: {  	s10 =	sld [smem:$0x3FB8];
	_ =	sdelay $0x3  }
0x33: {  	p0 =	seq.s32 s10, $0x1;
	s10 =	sld [smem:$0x3FBA];
	_ =	sdelay $0x3  }
0x34: {  	[smem:$0x3FBA] =	sst s10  }
0x35: {  	s10 =	sld [smem:$0x3FB9];
	_ =	sdelay $0x3  }
0x36: {  	p1 =	seq.s32 s10, $0x1;
	s10 =	sld [smem:$0x3FBA];
	_ =	sdelay $0x3  }
0x37: {  	[smem:$0x3FBA] =	sst s10  }
0x38: {  	s10 =	sld [smem:$0x3FBB]  }
0x39: {  	_ = 	snop;
	(pc) =	sbr.ind lr, $3  }
0x3a: {  	_ = 	snop  }
0x3b: {  	_ = 	snop  }
0x3c: {  	p2 =	seq.s32 s10, $0x1;
	s10 =	sld [smem:$0x3FBA]  }
0x3d: {  	_ =	shalt  }
0x3e: {  	_ =	shalt  }
0x3f: {  	_ =	shalt  }
0x40: {  	_ =	shalt  }
0x41: {  	_ =	shalt  }
0x42: {  	_ =	shalt  }
0x43: {  	_ =	shalt  }
0x44: {  	_ =	shalt  }
0x45: {  	_ =	shalt  }
0x46: {  	_ =	shalt  }
0x47: {  	_ =	shalt  }
0x48: {  	_ =	shalt  }
0x49: {  	_ =	shalt  }
0x4a: {  	_ =	shalt  }
0x4b: {  	_ =	shalt  }
0x4c: {  	_ =	shalt  }
0x4d: {  	_ =	shalt  }
0x4e: {  	_ =	shalt  }
0x4f: {  	_ =	shalt  }
0x50: {  	_ =	shalt  }
0x51: {  	_ =	shalt  }
0x52: {  	_ =	shalt  }
0x53: {  	_ =	shalt  }
0x54: {  	_ =	shalt  }
0x55: {  	_ =	shalt  }
0x56: {  	_ =	shalt  }
0x57: {  	_ =	shalt  }
0x58: {  	_ =	shalt  }
0x59: {  	_ =	shalt  }
0x5a: {  	_ =	shalt  }
0x5b: {  	_ =	shalt  }
0x5c: {  	_ =	shalt  }
0x5d: {  	_ =	shalt  }
0x5e: {  	_ =	shalt  }
0x5f: {  	_ =	shalt  }
0x60: {  	_ =	shalt  }
0x61: {  	_ =	shalt  }
0x62: {  	_ =	shalt  }
0x63: {  	_ =	shalt  }
0x64: {  	_ =	shalt  }
0x65: {  	_ =	shalt  }
0x66: {  	_ =	shalt  }
0x67: {  	_ =	shalt  }
0x68: {  	_ =	shalt  }
0x69: {  	_ =	shalt  }
0x6a: {  	_ =	shalt  }
0x6b: {  	_ =	shalt  }
0x6c: {  	_ =	shalt  }
0x6d: {  	_ =	shalt  }
0x6e: {  	_ =	shalt  }
0x6f: {  	_ =	shalt  }
0x70: {  	_ =	shalt  }
0x71: {  	_ =	shalt  }
0x72: {  	_ =	shalt  }
0x73: {  	_ =	shalt  }
0x74: {  	_ =	shalt  }
0x75: {  	_ =	shalt  }
0x76: {  	_ =	shalt  }
0x77: {  	_ =	shalt  }
0x78: {  	_ =	shalt  }
0x79: {  	_ =	shalt  }
0x7a: {  	_ =	shalt  }
0x7b: {  	_ =	shalt  }
0x7c: {  	_ =	shalt  }
0x7d: {  	_ =	shalt  }
0x7e: {  	_ =	shalt  }
0x7f: {  	_ =	shalt  }
0x80: {  	_ =	shalt  }
0x81: {  	_ =	shalt  }
0x82: {  	_ =	shalt  }
0x83: {  	_ =	shalt  }
0x84: {  	_ =	shalt  }
0x85: {  	_ =	shalt  }
0x86: {  	_ =	shalt  }
0x87: {  	_ =	shalt  }
.Lfunc_end0:
.L_simem_size_0:
called_computation.1_lowered:
.L_overlay_start_0:
0x88: {  	s2 =	sld [smem:$0x3FD9]  }
0x89: {  	s3 =	sld [smem:$0x3FFE];
	_ =	sdelay $0x1  }
0x8a: {  	s1 =	srdreg.scid  }
0x8b: {  	s0 =	sand.u32 $0x1, s1  }
0x8c: {  	s17 =	sshll.u32 s0, $0xA;
	s2 =	sadd.s32 s3, s2  }
0x8d: {  	s2 =	sadd.s32 s2, s17  }
0x8e: {  	[smem:$0x3FC6] =	sst s2  }
0x8f: {  	_ = 	snop  }
0x90: {  	s2 =	sld [smem:$0x3FD0];
	(tm) =	ssettm $0x1  }
0x91: {  	s18 =	sld [smem:$0x3FFB];
	_ =	sdelay $0x3  }
0x92: {  	_ =	strace s18  }
0x93: {  	s3 =	sld [smem:$0x3FFC];
	_ =	sdelay $0x3  }
0x94: {  	_ =	strace s3  }
0x95: {  	s3 =	sld [smem:$0x3FFD];
	_ =	sdelay $0x3  }
0x96: {  	_ =	strace s3  }
0x97: {  	_ =	strace $0x8FFFFFFF  }
0x98: {  	s19 =	sld [smem:$0x3FDB];
	_ =	sdelay $0x1  }
0x99: {  	s4 =	simm.s32 $_scs_section_size  }
0x9a: {  	s5 =	simm.s32 $_size__tile_overlayer_lowered;
	s6 =	simm.s32 $_tile_overlayer_lowered  }
0x9b: {  	s22 =	simm.s32 $0x1BFF;
	s21 =	sshll.u32 s6, $0x1;
	s3 =	sadd.s32 s4, s19  }
0x9c: {  	s7 =	simm.s32 $0x0;
	s20 =	sshll.u32 s5, $0x1;
	s5 =	sadd.s32 s21, s3  }
0x9d: {  	[timem:s7], [sflag:s22] =	dma.local [hbm:s5], s20  }
0x9e: {  	_ =	swait.ge [sflag:s22], s20  }
0x9f: {  	s4 =	ssub.s32 $0x0, s20;
	[sflag:s22] =	ssyncset.done $0x0  }
0xa0: {  	[sflag:s22] =	ssyncadd.s32 s4;
	_ =	sdelay $0x1  }
0xa1: {  	s23 =	simm.s32 $0x1B8B  }
0xa2: {  	_ =	swait.ge [sflag:s23], $0x1  }
0xa3: {  	[sflag:s23] =	ssyncset.done $0x0  }
0xa4: {  	s25 =	simm.s32 $0x1B8E;
	s24 =	sld [smem:$0x3FFE];
	[sflag:s23] =	ssyncadd.s32 $0xFFFFFFFF  }
0xa5: {  	s26 =	simm.s32 $execute0_lowered;
	[smem:$0x3FD2] =	sst s25  }
0xa6: {  	s5 =	sshll.u32 s26, $0x1;
	_ =	strace $0x80000046;
	[dreg:$0x1] =	wrdreg $0xFFFFFFFF  }
0xa7: {  	s28 =	simm.s32 $_size_execute0_lowered;
	s3 =	sadd.s32 s3, s5;
	[dreg:$0x0] =	wrdreg $0x0  }
0xa8: {  	s5 =	sshll.u32 s28, $0x1;
	[dreg:$0x2] =	wrdreg s3  }
0xa9: {  	[dreg:$0x3] =	wrdreg s5  }
0xaa: {  	[dreg:$0x4] =	wrdreg $0xC0  }
0xab: {  	_ =	task [dreg:s7], $0x5FFFF  }
0xac: {  	[dreg:$0x1] =	wrdreg $0xFFFFFFFF  }
0xad: {  	[dreg:$0x0] =	wrdreg $0x60  }
0xae: {  	[dreg:$0x2] =	wrdreg s24  }
0xaf: {  	[dreg:$0x3] =	wrdreg s2  }
0xb0: {  	[dreg:$0x4] =	wrdreg $0x9  }
0xb1: {  	_ =	task.clear_ibuf [dreg:s7], $0x5FFFF;
	_ =	strace $0x90000046  }
0xb2: {  	s29 =	simm.s32 $0x9;
	_ =	strace $0x80000048  }
0xb3: {  	_ =	swait.ge [sflag:s29], $0x1  }
0xb4: {  	[sflag:s29] =	ssyncadd.s32 $0xFFFFFFFF  }
0xb5: {  	_ =	strace $0x90000048  }
0xb6: {  	_ =	sfence  }
0xb7: {  	s30 =	sld [smem:$0x0];
	_ =	sdelay $0x2  }
0xb8: {  	s31 =	sshll.u32 s1, $0xD;
	s1 =	sshrl.u32 s1, $0x2  }
0xb9: {  	s3 =	sand.u32 $0x4000, s31;
	s1 =	sadd.s32 s1, s30  }
0xba: {  	s0 =	sor.u32 s3, s0;
	s1 =	sshll.u32 s1, $0x11  }
0xbb: {  	s0 =	sor.u32 s1, s0  }
0xbc: {  	s0 =	sadd.s32 $0x8F2B, s0  }
0xbd: {  	[sflag:s0] =	ssyncadd.remote.s32 $0x1  }
0xbe: {  	_ =	sfence.sel $0xFFFF  }
0xbf: {  	[dreg:$0x0] =	wrdreg $0xFFFFFFFF;
	(pc) =	sbr.abs _section_cstart, $3  }
0xc0: {  	[dreg:$0x1] =	wrdreg $0xFFFFFFFF  }
0xc1: {  	_ =	task.clear_ibuf [dreg:s7], $0x2FFFF;
	_ =	strace $0x9FFFFFFF  }
0xc2: {  	(tm) =	ssettm $0x7FFFFFFF  }
0xc3: {  	_ =	shalt  }
tec
execute0_lowered:
.L_overlay_start_1:
0x0: {  	(tag) =	ssettag $0x1  }
0x1: {  	s0 =	rddreg [dreg:$0x0]  }
0x2: {  	s1 =	rddreg [dreg:$0x1]  }
0x3: {  	s3 =	srdreg.scid;
	s10 =	stileid.u32  }
0x4: {  	s2 =	simm.s32 $0x0;
	s28 =	simm.s32 $0x2;
	s20 =	smul.u32 $0x320000, s10  }
0x5: {  	s29 =	simm.s32 $0x5;
	s5 =	sand.u32 $0x1, s3;
	s12 =	smul.u32 $0xC800, s10  }
0x6: {  	s31 =	simm.s32 $0x3;
	s18 =	sshll.u32 s10, $0x1;
	s22 =	smul.u32 $0x190000, s5  }
0x7: {  	s4 =	sor.u32 s5, s18;
	s7 =	ssub.s32 $0x2, s5;
	s5 =	smul.u32 $0x6400, s5  }
0x8: {  	s30 =	simm.s32 $0x0;
	[smem:$0x7FF] =	sst s2;
	s6 =	smul.u32 $0xC80, s4  }
0x9: {  	s3 =	sadd.s32 $0x19800, s0;
	_ =	strace $0x80000047;
	s8 =	smul.u32 $0x32000, s4  }
0xa: {  	s18 =	simm.s32 $0x9;
	s19 =	sshrl.u32 s7, $0x1;
	s9 =	smul.u32 $0x190000, s4  }
0xb: {  	s5 =	sadd.s32 s5, s12;
	s0 =	sadd.s32 s6, s0;
	s6 =	ssub.s32 s7, s19  }
0xc: {  	s4 =	sadd.s32 s1, s8;
	s23 =	sshrl.u32 s9, $0x3;
	s0 =	sadd.s32 $0x800, s0  }
0xd: {  	s5 =	sshll.u32 s5, $0x3;
	s21 =	sadd.s32 $0x400, s4;
	[dreg:$0x3] =	wrdreg s0  }
0xe: {  	s19 =	simm.s32 $0x80;
	s8 =	sadd.s32 $0x800, s4;
	[dreg:$0x4] =	wrdreg s21  }
0xf: {  	s24 =	sadd.s32 $0xC00, s4;
	s13 =	smax.u32 s6, $0x1;
	[dreg:$0x5] =	wrdreg s8  }
0x10: {  	s26 =	sadd.s32 s5, s1;
	[dreg:$0x6] =	wrdreg s24;
	s8 =	sadd.s32 s1, s23  }
0x11: {  	s0 =	sadd.s32 s22, s20;
	s15 =	sadd.s32 $0x1800, s26;
	s16 =	sadd.s32 $0x1400, s26  }
0x12: {  	s17 =	sadd.s32 $0x1C00, s26;
	s20 =	simm.s32 $0x6400;
	s21 =	simm.s32 $0x8400  }
0x13: {  	s23 =	simm.s32 $0xA400;
	s26 =	simm.s32 $0x1;
	s22 =	simm.s32 $0x4  }
0x14: {  	s24 =	simm.s32 $0x7;
	s25 =	sadd.s32 $0x31000, s8;
	s10 =	sadd.s32 $0x31400, s8  }
0x15: {  	s11 =	sadd.s32 $0x31800, s8;
	s0 =	sor.u32 $0x8000, s0;
	s12 =	sadd.s32 $0x31C00, s8  }
0x16: {  	[dreg:$0x7] =	wrdreg s25;
	s0 =	sshrl.u32 s0, $0x3;
	s25 =	simm.s32 $0xC400  }
0x17: {  	s14 =	sadd.s32 s0, s1;
	s0 =	simm.s32 $0x6;
	s1 =	simm.s32 $0x8  }
.LBB2_1:
0x18: {  	s5 =	rddreg [dreg:$0x3]  }
0x19: {  	[tilespmem:s2], [sflag:$0x9] =	stream.linear.gather [hbm4b:s5+s2], $0x6400, $0x38;
	[tilespmem:$0xE400] =	vst v63  }
0x1a: {  	_ =	swait.ge [sflag:s18], $0x6400  }
0x1b: {  	[sflag:s18] =	ssyncset.done $0x0  }
0x1c: {  	[sflag:s18] =	ssyncadd.s32 $0xFFFF9C00  }
0x1d: {  	[tilespmem:s20], [sflag:$0x1] =	stream.indirect.gather [hbm4b:s3+s19], $0x40, s2, s19, $0xb8;
	[tilespmem:$0xE400] =	vst v63  }
0x1e: {  	_ = 	snop  }
0x1f: {  	[tilespmem:s21], [sflag:$0x2] =	stream.indirect.gather [hbm4b:s3+s19], $0x40, s19, s19, $0xb8;
	[tilespmem:$0xE400] =	vst v63  }
0x20: {  	s7 =	simm.s32 $0x100  }
0x21: {  	[tilespmem:s23], [sflag:$0x3] =	stream.indirect.gather [hbm4b:s3+s19], $0x40, s7, s19, $0xb8;
	[tilespmem:$0xE400] =	vst v63  }
0x22: {  	s8 =	simm.s32 $0x180  }
0x23: {  	[tilespmem:s25], [sflag:$0x4] =	stream.indirect.gather [hbm4b:s3+s19], $0x40, s8, s19, $0xb8;
	[tilespmem:$0xE400] =	vst v63  }
0x24: {  	_ =	swait.ge [sflag:s26], $0x2000  }
0x25: {  	[sflag:s26] =	ssyncset.done $0x0  }
0x26: {  	[sflag:s26] =	ssyncadd.s32 $0xFFFFE000  }
0x27: {  	[hbm4b:s4+s2] =	stream.linear.scatter [tilespmem:s20], [sflag:$0x5], $0x2000, $0x38;
	[tilespmem:$0xE400] =	vst v63  }
0x28: {  	_ =	swait.ge [sflag:s28], $0x2000  }
0x29: {  	[sflag:s28] =	ssyncset.done $0x0  }
0x2a: {  	s9 =	rddreg [dreg:$0x4];
	[sflag:s28] =	ssyncadd.s32 $0xFFFFE000  }
0x2b: {  	[hbm4b:s9+s2] =	stream.linear.scatter [tilespmem:s21], [sflag:$0x6], $0x2000, $0x38;
	[tilespmem:$0xE400] =	vst v63  }
0x2c: {  	_ =	swait.ge [sflag:s29], $0x2000  }
0x2d: {  	[sflag:s29] =	ssyncset.done $0x0  }
0x2e: {  	s6 =	simm.s32 $0x200;
	[sflag:s29] =	ssyncadd.s32 $0xFFFFE000  }
0x2f: {  	[tilespmem:s20], [sflag:$0x1] =	stream.indirect.gather [hbm4b:s3+s19], $0x40, s6, s19, $0xb8;
	[tilespmem:$0xE400] =	vst v63  }
0x30: {  	_ =	swait.ge [sflag:s31], $0x2000  }
0x31: {  	[sflag:s31] =	ssyncset.done $0x0  }
0x32: {  	s7 =	rddreg [dreg:$0x5];
	[sflag:s31] =	ssyncadd.s32 $0xFFFFE000  }
0x33: {  	[hbm4b:s7+s2] =	stream.linear.scatter [tilespmem:s23], [sflag:$0x7], $0x2000, $0x38;
	[tilespmem:$0xE400] =	vst v63  }
0x34: {  	_ =	swait.ge [sflag:s0], $0x2000  }
0x35: {  	[sflag:s0] =	ssyncset.done $0x0  }
0x36: {  	s8 =	simm.s32 $0x280;
	[sflag:s0] =	ssyncadd.s32 $0xFFFFE000  }
0x37: {  	[tilespmem:s21], [sflag:$0x2] =	stream.indirect.gather [hbm4b:s3+s19], $0x40, s8, s19, $0xb8;
	[tilespmem:$0xE400] =	vst v63  }
0x38: {  	_ =	swait.ge [sflag:s22], $0x2000  }
0x39: {  	[sflag:s22] =	ssyncset.done $0x0  }
0x3a: {  	s9 =	rddreg [dreg:$0x6];
	[sflag:s22] =	ssyncadd.s32 $0xFFFFE000  }
0x3b: {  	[hbm4b:s9+s2] =	stream.linear.scatter [tilespmem:s25], [sflag:$0x8], $0x2000, $0x38;
	[tilespmem:$0xE400] =	vst v63  }
0x3c: {  	_ =	swait.ge [sflag:s24], $0x2000  }
0x3d: {  	[sflag:s24] =	ssyncset.done $0x0  }
0x3e: {  	s6 =	simm.s32 $0x300;
	[sflag:s24] =	ssyncadd.s32 $0xFFFFE000  }
0x3f: {  	[tilespmem:s23], [sflag:$0x3] =	stream.indirect.gather [hbm4b:s3+s19], $0x40, s6, s19, $0xb8;
	[tilespmem:$0xE400] =	vst v63  }
0x40: {  	_ =	swait.ge [sflag:s26], $0x2000  }
0x41: {  	[sflag:s26] =	ssyncset.done $0x0  }
0x42: {  	s7 =	sadd.s32 $0x0, s14;
	[sflag:s26] =	ssyncadd.s32 $0xFFFFE000  }
0x43: {  	[hbm4b:s7+s2] =	stream.linear.scatter [tilespmem:s20], [sflag:$0x5], $0x2000, $0x38;
	[tilespmem:$0xE400] =	vst v63  }
0x44: {  	_ =	swait.ge [sflag:s1], $0x2000  }
0x45: {  	[sflag:s1] =	ssyncset.done $0x0  }
0x46: {  	s8 =	simm.s32 $0x380;
	[sflag:s1] =	ssyncadd.s32 $0xFFFFE000  }
0x47: {  	[tilespmem:s25], [sflag:$0x4] =	stream.indirect.gather [hbm4b:s3+s19], $0x40, s8, s19, $0xb8;
	[tilespmem:$0xE400] =	vst v63  }
0x48: {  	_ =	swait.ge [sflag:s28], $0x2000  }
0x49: {  	[sflag:s28] =	ssyncset.done $0x0  }
0x4a: {  	s9 =	sadd.s32 $0x0, s16;
	[sflag:s28] =	ssyncadd.s32 $0xFFFFE000  }
0x4b: {  	[hbm4b:s9+s2] =	stream.linear.scatter [tilespmem:s21], [sflag:$0x6], $0x2000, $0x38;
	[tilespmem:$0xE400] =	vst v63  }
0x4c: {  	_ =	swait.ge [sflag:s29], $0x2000  }
0x4d: {  	[sflag:s29] =	ssyncset.done $0x0  }
0x4e: {  	s6 =	simm.s32 $0x400;
	[sflag:s29] =	ssyncadd.s32 $0xFFFFE000  }
0x4f: {  	[tilespmem:s20], [sflag:$0x1] =	stream.indirect.gather [hbm4b:s3+s19], $0x40, s6, s19, $0xb8;
	[tilespmem:$0xE400] =	vst v63  }
0x50: {  	_ =	swait.ge [sflag:s31], $0x2000  }
0x51: {  	[sflag:s31] =	ssyncset.done $0x0  }
0x52: {  	s7 =	sadd.s32 $0x0, s15;
	[sflag:s31] =	ssyncadd.s32 $0xFFFFE000  }
0x53: {  	[hbm4b:s7+s2] =	stream.linear.scatter [tilespmem:s23], [sflag:$0x7], $0x2000, $0x38;
	[tilespmem:$0xE400] =	vst v63  }
0x54: {  	_ =	swait.ge [sflag:s0], $0x2000  }
0x55: {  	[sflag:s0] =	ssyncset.done $0x0  }
0x56: {  	s8 =	simm.s32 $0x480;
	[sflag:s0] =	ssyncadd.s32 $0xFFFFE000  }
0x57: {  	[tilespmem:s21], [sflag:$0x2] =	stream.indirect.gather [hbm4b:s3+s19], $0x40, s8, s19, $0xb8;
	[tilespmem:$0xE400] =	vst v63  }
0x58: {  	_ =	swait.ge [sflag:s22], $0x2000  }
0x59: {  	[sflag:s22] =	ssyncset.done $0x0  }
0x5a: {  	s9 =	sadd.s32 $0x0, s17;
	[sflag:s22] =	ssyncadd.s32 $0xFFFFE000  }
0x5b: {  	[hbm4b:s9+s2] =	stream.linear.scatter [tilespmem:s25], [sflag:$0x8], $0x2000, $0x38;
	[tilespmem:$0xE400] =	vst v63  }
0x5c: {  	_ =	swait.ge [sflag:s24], $0x2000  }
0x5d: {  	s5 =	simm.s32 $0x500;
	[sflag:s24] =	ssyncset.done $0x0  }
0x5e: {  	s6 =	simm.s32 $0x1000;
	s7 =	simm.s32 $0x700;
	[sflag:s24] =	ssyncadd.s32 $0xFFFFE000  }
.LBB2_2:
0x5f: {  	[tilespmem:s23], [sflag:$0x3] =	stream.indirect.gather [hbm4b:s3+s19], $0x40, s5, s19, $0xb8;
	[tilespmem:$0xE400] =	vst v63  }
0x60: {  	s8 =	smov.u32 s6;
	s5 =	smov.u32 s7  }
0x61: {  	p0 =	sne.s32 s6, $0x2F000;
	s6 =	sadd.s32 $0x1000, s6;
	_ =	swait.ge [sflag:s26], $0x2000  }
0x62: {  	[sflag:s26] =	ssyncset.done $0x0  }
0x63: {  	s9 =	sadd.s32 s8, s14;
	[sflag:s26] =	ssyncadd.s32 $0xFFFFE000  }
0x64: {  	[hbm4b:s9+s2] =	stream.linear.scatter [tilespmem:s20], [sflag:$0x5], $0x2000, $0x38;
	[tilespmem:$0xE400] =	vst v63  }
0x65: {  	_ =	swait.ge [sflag:s1], $0x2000  }
0x66: {  	[sflag:s1] =	ssyncset.done $0x0  }
0x67: {  	s9 =	sadd.s32 $0xFFFFFE80, s7;
	[sflag:s1] =	ssyncadd.s32 $0xFFFFE000  }
0x68: {  	[tilespmem:s25], [sflag:$0x4] =	stream.indirect.gather [hbm4b:s3+s19], $0x40, s9, s19, $0xb8;
	[tilespmem:$0xE400] =	vst v63  }
0x69: {  	_ =	swait.ge [sflag:s28], $0x2000  }
0x6a: {  	[sflag:s28] =	ssyncset.done $0x0  }
0x6b: {  	s9 =	sadd.s32 s8, s16;
	[sflag:s28] =	ssyncadd.s32 $0xFFFFE000  }
0x6c: {  	[hbm4b:s9+s2] =	stream.linear.scatter [tilespmem:s21], [sflag:$0x6], $0x2000, $0x38;
	[tilespmem:$0xE400] =	vst v63  }
0x6d: {  	_ =	swait.ge [sflag:s29], $0x2000  }
0x6e: {  	[sflag:s29] =	ssyncset.done $0x0  }
0x6f: {  	s9 =	sadd.s32 $0xFFFFFF00, s7;
	[sflag:s29] =	ssyncadd.s32 $0xFFFFE000  }
0x70: {  	[tilespmem:s20], [sflag:$0x1] =	stream.indirect.gather [hbm4b:s3+s19], $0x40, s9, s19, $0xb8;
	[tilespmem:$0xE400] =	vst v63  }
0x71: {  	_ =	swait.ge [sflag:s31], $0x2000  }
0x72: {  	[sflag:s31] =	ssyncset.done $0x0  }
0x73: {  	s9 =	sadd.s32 s8, s15;
	[sflag:s31] =	ssyncadd.s32 $0xFFFFE000  }
0x74: {  	[hbm4b:s9+s2] =	stream.linear.scatter [tilespmem:s23], [sflag:$0x7], $0x2000, $0x38;
	[tilespmem:$0xE400] =	vst v63  }
0x75: {  	_ =	swait.ge [sflag:s0], $0x2000  }
0x76: {  	[sflag:s0] =	ssyncset.done $0x0  }
0x77: {  	s9 =	sadd.s32 $0xFFFFFF80, s7;
	[sflag:s0] =	ssyncadd.s32 $0xFFFFE000  }
0x78: {  	[tilespmem:s21], [sflag:$0x2] =	stream.indirect.gather [hbm4b:s3+s19], $0x40, s9, s19, $0xb8;
	[tilespmem:$0xE400] =	vst v63  }
0x79: {  	_ =	swait.ge [sflag:s22], $0x2000  }
0x7a: {  	[sflag:s22] =	ssyncset.done $0x0  }
.Ltmp0:
0x7b: {  	s8 =	sadd.s32 s8, s17;
	[sflag:s22] =	ssyncadd.s32 $0xFFFFE000;
	(pc) =	sbr.rel @p0 .LBB2_2-.Ltmp0, $4  }
0x7c: {  	[hbm4b:s8+s2] =	stream.linear.scatter [tilespmem:s25], [sflag:$0x8], $0x2000, $0x38;
	[tilespmem:$0xE400] =	vst v63  }
0x7d: {  	_ =	swait.ge [sflag:s24], $0x2000  }
0x7e: {  	[sflag:s24] =	ssyncset.done $0x0  }
0x7f: {  	s7 =	sadd.s32 $0x200, s7;
	[sflag:s24] =	ssyncadd.s32 $0xFFFFE000  }
0x80: {  	[tilespmem:s23], [sflag:$0x3] =	stream.indirect.gather [hbm4b:s3+s19], $0x40, s5, s19, $0xb8;
	[tilespmem:$0xE400] =	vst v63  }
0x81: {  	_ =	swait.ge [sflag:s26], $0x2000  }
0x82: {  	[sflag:s26] =	ssyncset.done $0x0  }
0x83: {  	s8 =	rddreg [dreg:$0x7];
	[sflag:s26] =	ssyncadd.s32 $0xFFFFE000  }
0x84: {  	[hbm4b:s8+s2] =	stream.linear.scatter [tilespmem:s20], [sflag:$0x5], $0x2000, $0x38;
	[tilespmem:$0xE400] =	vst v63  }
0x85: {  	_ =	swait.ge [sflag:s1], $0x2000  }
0x86: {  	[sflag:s1] =	ssyncset.done $0x0  }
0x87: {  	s9 =	simm.s32 $0x6380;
	[sflag:s1] =	ssyncadd.s32 $0xFFFFE000  }
0x88: {  	[tilespmem:s25], [sflag:$0x4] =	stream.indirect.gather [hbm4b:s3+s19], $0x40, s9, s19, $0xb8;
	[tilespmem:$0xE400] =	vst v63  }
0x89: {  	_ =	swait.ge [sflag:s28], $0x2000  }
0x8a: {  	[sflag:s28] =	ssyncset.done $0x0  }
0x8b: {  	[sflag:s28] =	ssyncadd.s32 $0xFFFFE000  }
0x8c: {  	[hbm4b:s10+s2] =	stream.linear.scatter [tilespmem:s21], [sflag:$0x6], $0x2000, $0x38;
	[tilespmem:$0xE400] =	vst v63  }
0x8d: {  	_ =	swait.ge [sflag:s31], $0x2000  }
0x8e: {  	[sflag:s31] =	ssyncset.done $0x0  }
0x8f: {  	[sflag:s31] =	ssyncadd.s32 $0xFFFFE000  }
0x90: {  	[hbm4b:s11+s2] =	stream.linear.scatter [tilespmem:s23], [sflag:$0x7], $0x2000, $0x38;
	[tilespmem:$0xE400] =	vst v63  }
0x91: {  	_ =	swait.ge [sflag:s22], $0x2000  }
0x92: {  	[sflag:s22] =	ssyncset.done $0x0  }
0x93: {  	[sflag:s22] =	ssyncadd.s32 $0xFFFFE000  }
0x94: {  	[hbm4b:s12+s2] =	stream.linear.scatter [tilespmem:s25], [sflag:$0x8], $0x2000, $0x38;
	[tilespmem:$0xE400] =	vst v63  }
0x95: {  	_ =	swait.ge [sflag:s29], $0x2000  }
0x96: {  	[sflag:s29] =	ssyncset.done $0x0  }
0x97: {  	[sflag:s29] =	ssyncadd.s32 $0xFFFFE000  }
0x98: {  	_ =	swait.ge [sflag:s0], $0x2000  }
0x99: {  	[sflag:s0] =	ssyncset.done $0x0  }
0x9a: {  	s30 =	sadd.s32 $0x1, s30;
	[sflag:s0] =	ssyncadd.s32 $0xFFFFE000  }
0x9b: {  	p0 =	sne.s32 s30, s13;
	_ =	swait.ge [sflag:s24], $0x2000  }
.Ltmp1:
0x9c: {  	[sflag:s24] =	ssyncset.done $0x0;
	(pc) =	sbr.rel @p0 .LBB2_1-.Ltmp1, $4  }
0x9d: {  	[sflag:s24] =	ssyncadd.s32 $0xFFFFE000  }
0x9e: {  	_ =	swait.ge [sflag:s1], $0x2000  }
0x9f: {  	[sflag:s1] =	ssyncset.done $0x0  }
0xa0: {  	[sflag:s1] =	ssyncadd.s32 $0xFFFFE000  }
0xa1: {  	_ =	sfence.sel $0x180000  }
0xa2: {  	[bflag:$0x0] =	sbarrier.arrive $0xFFFF  }
0xa3: {  	_ =	strace $0x90000047  }
0xa4: {  	s0 =	stileid.u32;
	[bflag:$0x2] =	sbarrier.arrive $0xFFFF  }
0xa5: {  	p0 =	sne.s32 s0, $0x0;
	s0 =	rddreg [dreg:$0x2]  }
0xa6: {  	s0 =	sadd.s32 @!p0 $0x100000, s0  }
0xa7: {  	[sflag:s0] =	ssyncadd.tile.s32 @!p0 $0x1;
	_ =	shalt  }
.Lfunc_end2:
_tile_overlayer_lowered:
.L_overlay_start_2:
0xa8: {  	(tag) =	ssettag $0x2  }
0xa9: {  	s0 =	rddreg [dreg:$0x0];
	s2 =	stileid.u32  }
0xaa: {  	s1 =	rddreg [dreg:$0x1];
	p0 =	sne.s32 s2, $0x0  }
0xab: {  	s3 =	rddreg [dreg:$0x2];
	[bflag:$0x3] =	sbarrier.arrive $0xFFFF;
	s2 =	simm.s32 @!p0 $0x1C09  }
0xac: {  	[timem:s3], [sflag:s2] =	dma.local @!p0 [hbm:s0], s1  }
0xad: {  	s0 =	simm.s32 @!p0 $0x9  }
0xae: {  	_ =	swait.ge @!p0 [sflag:s0], s1  }
0xaf: {  	s1 =	ssub.s32 @!p0 $0x0, s1;
	[sflag:s0] =	ssyncset.done @!p0 $0x0  }
0xb0: {  	[sflag:s0] =	ssyncadd.s32 @!p0 s1  }
0xb1: {  	[bflag:$0x3] =	sbarrier.arrive $0xFFFF  }
0xb2: {  	_ =	shalt  }

// kernel: sparse-core-data-format-call.cloned.1.call-start
scs
called_computation_lowered:
.L_overlay_start_0:
0x0: {  	s2 =	sld [smem:$0x3FD9]  }
0x1: {  	s3 =	sld [smem:$0x3FFE];
	_ =	sdelay $0x1  }
0x2: {  	s1 =	srdreg.scid  }
0x3: {  	s0 =	sand.u32 $0x1, s1  }
0x4: {  	s18 =	sshll.u32 s0, $0xA;
	s2 =	sadd.s32 s3, s2  }
0x5: {  	s2 =	sadd.s32 s2, s18  }
0x6: {  	[smem:$0x3FC6] =	sst s2  }
0x7: {  	_ = 	snop  }
0x8: {  	s2 =	sld [smem:$0x3FD0];
	(tm) =	ssettm $0x1  }
0x9: {  	s19 =	sld [smem:$0x3FFB];
	_ =	sdelay $0x3  }
0xa: {  	_ =	strace s19  }
0xb: {  	s3 =	sld [smem:$0x3FFC];
	_ =	sdelay $0x3  }
0xc: {  	_ =	strace s3  }
0xd: {  	s3 =	sld [smem:$0x3FFD];
	_ =	sdelay $0x3  }
0xe: {  	_ =	strace s3  }
0xf: {  	_ =	strace $0x8FFFFFFF  }
0x10: {  	s20 =	sld [smem:$0x3FDB];
	_ =	sdelay $0x1  }
0x11: {  	s4 =	simm.s32 $_scs_section_size  }
0x12: {  	s5 =	simm.s32 $_size__tile_overlayer_lowered;
	s6 =	simm.s32 $_tile_overlayer_lowered  }
0x13: {  	s23 =	simm.s32 $0x1BFF;
	s22 =	sshll.u32 s6, $0x1;
	s3 =	sadd.s32 s4, s20  }
0x14: {  	s7 =	simm.s32 $0x0;
	s21 =	sshll.u32 s5, $0x1;
	s5 =	sadd.s32 s22, s3  }
0x15: {  	[timem:s7], [sflag:s23] =	dma.local [hbm:s5], s21  }
0x16: {  	_ =	swait.ge [sflag:s23], s21  }
0x17: {  	s4 =	ssub.s32 $0x0, s21;
	[sflag:s23] =	ssyncset.done $0x0  }
0x18: {  	[sflag:s23] =	ssyncadd.s32 s4;
	_ =	sdelay $0x1  }
0x19: {  	s24 =	simm.s32 $0x1B8B  }
0x1a: {  	_ =	swait.ge [sflag:s24], $0x1  }
0x1b: {  	[sflag:s24] =	ssyncset.done $0x0  }
0x1c: {  	s26 =	simm.s32 $0x1B8E;
	s25 =	sld [smem:$0x3FFE];
	[sflag:s24] =	ssyncadd.s32 $0xFFFFFFFF  }
0x1d: {  	s27 =	simm.s32 $execute0_lowered;
	[smem:$0x3FD2] =	sst s26  }
0x1e: {  	s5 =	sshll.u32 s27, $0x1;
	_ =	strace $0x80000049;
	[dreg:$0x1] =	wrdreg $0xFFFFFFFF  }
0x1f: {  	s28 =	simm.s32 $_size_execute0_lowered;
	s3 =	sadd.s32 s3, s5;
	[dreg:$0x0] =	wrdreg $0x0  }
0x20: {  	s5 =	sshll.u32 s28, $0x1;
	[dreg:$0x2] =	wrdreg s3  }
0x21: {  	[dreg:$0x3] =	wrdreg s5  }
0x22: {  	[dreg:$0x4] =	wrdreg $0xC0  }
0x23: {  	_ =	task [dreg:s7], $0x5FFFF  }
0x24: {  	[dreg:$0x1] =	wrdreg $0xFFFFFFFF  }
0x25: {  	[dreg:$0x0] =	wrdreg $0x60  }
0x26: {  	[dreg:$0x2] =	wrdreg s25  }
0x27: {  	[dreg:$0x3] =	wrdreg s2  }
0x28: {  	[dreg:$0x4] =	wrdreg $0x9  }
0x29: {  	_ =	task.clear_ibuf [dreg:s7], $0x5FFFF;
	_ =	strace $0x90000049  }
0x2a: {  	s29 =	simm.s32 $0x9;
	_ =	strace $0x8000004B  }
0x2b: {  	_ =	swait.ge [sflag:s29], $0x1  }
0x2c: {  	[sflag:s29] =	ssyncadd.s32 $0xFFFFFFFF  }
0x2d: {  	_ =	strace $0x9000004B  }
0x2e: {  	_ =	sfence  }
0x2f: {  	s30 =	sld [smem:$0x0];
	_ =	sdelay $0x2  }
0x30: {  	s31 =	sshll.u32 s1, $0xD;
	s1 =	sshrl.u32 s1, $0x2  }
0x31: {  	s3 =	sand.u32 $0x4000, s31;
	s1 =	sadd.s32 s1, s30  }
0x32: {  	s0 =	sor.u32 s3, s0;
	s1 =	sshll.u32 s1, $0x11  }
0x33: {  	s0 =	sor.u32 s1, s0  }
0x34: {  	s0 =	sadd.s32 $0x8F2B, s0  }
0x35: {  	[sflag:s0] =	ssyncadd.remote.s32 $0x1  }
0x36: {  	_ =	sfence.sel $0xFFFF  }
0x37: {  	[dreg:$0x0] =	wrdreg $0xFFFFFFFF;
	(pc) =	sbr.abs _section_cstart, $3  }
0x38: {  	[dreg:$0x1] =	wrdreg $0xFFFFFFFF  }
0x39: {  	_ =	task.clear_ibuf [dreg:s7], $0x2FFFF;
	_ =	strace $0x9FFFFFFF  }
0x3a: {  	(tm) =	ssettm $0x7FFFFFFF  }
0x3b: {  	_ =	shalt  }
tec
execute0_lowered:
.L_overlay_start_1:
0x0: {  	(tag) =	ssettag $0x1  }
0x1: {  	s0 =	srdreg.scid  }
0x2: {  	s1 =	sshll.u32 s0, $0x4  }
0x3: {  	s0 =	stileid.u32;
	s1 =	sand.u32 $0x10, s1  }
0x4: {  	s1 =	sor.u32 s0, s1  }
0x5: {  	s6 =	rddreg [dreg:$0x0];
	s4 =	simm.s32 $0x1;
	s2 =	sshll.u32 s1, $0x7  }
0x6: {  	s7 =	simm.s32 $0x2;
	s12 =	simm.s32 $0x0;
	s1 =	ssub.s32 $0x1000, s2  }
0x7: {  	s8 =	simm.s32 $0x8000;
	s13 =	simm.s32 $0x0;
	s3 =	sand.u32 $0xF80, s1  }
0x8: {  	s9 =	simm.s32 $0x0;
	s5 =	sshrl.u32 s1, $0xC;
	p0 =	sne.s32 s3, $0x0  }
.Ltmp0:
0x9: {  	s1 =	rddreg [dreg:$0x2];
	s4 =	simm.s32 @!p0 $0x0;
	(pc) =	sbr.rel .LBB1_1-.Ltmp0, $4  }
0xa: {  	s11 =	simm.s32 $0x0;
	s3 =	rddreg [dreg:$0x1];
	s5 =	sadd.s32 s4, s5  }
0xb: {  	_ =	strace $0x8000004A;
	s4 =	simm.s32 $0x1;
	s5 =	smul.u32 $0xC8, s5  }
0xc: {  	s6 =	sadd.s32 $0x800, s6;
	s10 =	smov.u32 s2;
	[sflag:s4] =	ssyncpa.u1 $0x0  }
0xd: {  	p0 =	por $0x0, $0x0;
	[sflag:s7] =	ssyncpa.u1 $0x0;
	s7 =	sor.u32 $0x1, s5  }
.LBB1_4:
0xe: {  	s16 =	sshll.u32 s13, $0x3;
	s17 =	sand.u32 $0x78, s13  }
0xf: {  	s30 =	sand.u32 $0x7E00, s13;
	s12 =	sshll.u32 s12, $0xF;
	s16 =	sand.u32 $0xC00, s16  }
0x10: {  	[tilespmem:s15+$0x810 ss:$0x81] =	vst.msk $0xffff, v2;
	s31 =	sand.u32 $0x7, s13;
	s16 =	sor.u32 s17, s16;
	s17 =	sadd.s32 s3, s30  }
0x11: {  	[tilespmem:s15+$0x1020 ss:$0x81] =	vst.msk $0xffff, v0;
	s13 =	sshll.u32 s31, $0x12;
	s12 =	sadd.s32 s12, s17;
	s16 =	sshrl.u32 s16, $0x3  }
0x12: {  	[tilespmem:s15+$0x0 ss:$0x81] =	vst.msk $0xffff, v1;
	s13 =	sor.u32 $0x400, s13;
	s12 =	sadd.s32 s16, s12  }
0x13: {  	[hbm4b:s12+s13] =	stream.strided.scatter [tilespmem:s14], [sflag:$0x2], $0x2000, s8, s13, $0x20;
	[tilespmem:$0x8080] =	vst v63  }
.LBB1_5:
0x14: {  	s14 =	sadd.s32 $0x1, s9  }
0x15: {  	s12 =	sadd.s32 $0x1000, s10;
	s16 =	smov.u32 s10;
	p2 =	sgt.s32 s14, $0xC7  }
0x16: {  	s16 =	smov.u32 @p2 s12  }
0x17: {  	s14 =	simm.s32 @p2 $0x0;
	p2 =	sgt.s32 s16, $0xFFF  }
0x18: {  	s16 =	smov.u32 @p2 s2;
	p2 =	sne.s32 s11, s7  }
.Ltmp1:
0x19: {  	p1 =	slt.u32 s11, $0x2;
	(pc) =	sbr.rel @!p2 .LBB1_6-.Ltmp1, $4  }
0x1a: {  	s15 =	simm.s32 @!p1 $0x2  }
0x1b: {  	s13 =	smov.u32 s10;
	p0 =	por !p0, !p0;
	_ =	swait.ge @!p1 [sflag:s15], $0x2000  }
0x1c: {  	s12 =	smov.u32 s9;
	[sflag:s15] =	ssyncset.done @!p1 $0x0;
	s9 =	smov.u32 s14  }
0x1d: {  	s11 =	sadd.s32 $0x1, s11;
	[sflag:s15] =	ssyncadd.s32 @!p1 $0xFFFFE000;
	s10 =	smov.u32 s16  }
.LBB1_1:
0x1e: {  	p1 =	sge.u32 s11, s5  }
0x1f: {  	s14 =	sand.u32 @!p1 $0x1FFFFFF, s9  }
0x20: {  	s15 =	smulhi.u32 @!p1 $0x147AE15, s14;
	_ =	sdelay $0x1  }
0x21: {  	s15 =	smul.u32 @!p1 $0xC8, s15  }
0x22: {  	s16 =	sxor.u32 @!p1 $0xFFFFFFFF, s11;
	s17 =	smul.u32 @!p1 $0xC80, s10  }
0x23: {  	s31 =	sadd.s32 $0xFFFFFFFF, s11;
	s16 =	sshll.u32 @!p1 s16, $0xD;
	s14 =	ssub.s32 @!p1 s14, s15  }
0x24: {  	s15 =	sand.u32 @!p1 $0x2000, s16;
	s16 =	sadd.s32 @!p1 s6, s17;
	s14 =	sshll.u32 @!p1 s14, $0x4  }
0x25: {  	s17 =	simm.s32 @!p1 $0x6400;
	s14 =	sadd.s32 @!p1 s14, s16;
	s16 =	simm.s32 @!p1 $0x40  }
0x26: {  	[tilespmem:s15], [sflag:$0x1] =	stream.strided.gather @!p1 [hbm4b:s14+s16], $0x2000, s17, s16, $0x38;
	[tilespmem:$0x8080] =	vst v63  }
0x27: {  	p1 =	sge.u32 s31, s5  }
.Ltmp2:
0x28: {  	_ = 	snop;
	(pc) =	sbr.rel @p1 .LBB1_5-.Ltmp2, $1  }
0x29: {  	_ =	sdelay $0x3  }
0x2a: {  	s14 =	simm.s32 $0x1  }
0x2b: {  	_ =	swait.ge [sflag:s4], $0x2000;
	s14 =	simm.s32 @!p0 $0x0  }
0x2c: {  	[sflag:s4] =	ssyncset.done $0x0;
	s15 =	sshll.u32 s14, $0xD  }
0x2d: {  	[sflag:s4] =	ssyncadd.s32 $0xFFFFE000;
	s18 =	sor.u32 $0x20, s15  }
0x2e: {  	s14 =	smul.u32 $0x8100, s14;
	v3 =	vld [tilespmem:s18+$0x10]  }
0x2f: {  	s30 =	sand.u32 $0x1, s11;
	v2 =	vld [tilespmem:s18+$0xFFFFFFF0]  }
0x30: {  	s15 =	smul.u32 $0x8100, s30;
	s14 =	sshrl.u32 s14, $0x2;
	v0 =	vld [tilespmem:s18+$0x0]  }
0x31: {  	v1 =	vld [tilespmem:s18+$0xFFFFFFE0];
	s16 =	sor.u32 $0x4000, s14  }
0x32: {  	s31 =	sshrl.u32 s15, $0x2;
	s15 =	sadd.s32 $0x0, s16  }
0x33: {  	s17 =	simm.s32 $0x4;
	s18 =	sadd.s32 $0x40, s18;
	s14 =	sor.u32 $0x4000, s31;
	[tilespmem:s15+$0x1830 ss:$0x81] =	vst.msk $0xffff, v3  }
.LBB1_3:
0x34: {  	v3 =	vld [tilespmem:s18+$0x10];
	p1 =	sne.s32 s17, $0x1FC;
	[tilespmem:s15+$0x810 ss:$0x81] =	vst.msk $0xffff, v2;
	s19 =	smov.u32 s17;
	s17 =	sadd.s32 $0x4, s17  }
.Ltmp3:
0x35: {  	v2 =	vld [tilespmem:s18+$0xFFFFFFF0];
	[tilespmem:s15+$0x1020 ss:$0x81] =	vst.msk $0xffff, v0;
	(pc) =	sbr.rel @p1 .LBB1_3-.Ltmp3, $4  }
0x36: {  	v0 =	vld [tilespmem:s18+$0x0];
	[tilespmem:s15+$0x0 ss:$0x81] =	vst.msk $0xffff, v1  }
0x37: {  	s15 =	sshra.s32 s19, $0x2;
	v1 =	vld [tilespmem:s18+$0xFFFFFFE0]  }
0x38: {  	s15 =	sadd.s32 s15, s16  }
0x39: {  	s18 =	sadd.s32 $0x40, s18;
	[tilespmem:s15+$0x1830 ss:$0x81] =	vst.msk $0xffff, v3  }
.Ltmp4:
0x3a: {  	_ = 	snop;
	(pc) =	sbr.rel .LBB1_4-.Ltmp4, $1  }
0x3b: {  	_ =	sdelay $0x3  }
.LBB1_6:
0x3c: {  	_ =	sfence.sel $0x180000  }
0x3d: {  	s2 =	simm.s32 $0x1;
	[bflag:$0x0] =	sbarrier.arrive $0xFFFF  }
0x3e: {  	s31 =	simm.s32 $0x2;
	[sflag:s2] =	ssyncpa.u1 $0x1  }
0x3f: {  	[sflag:s31] =	ssyncpa.u1 $0x1  }
0x40: {  	p0 =	sne.s32 s0, $0x0;
	_ =	strace $0x9000004A  }
0x41: {  	s0 =	sadd.s32 @!p0 $0x100000, s1;
	[bflag:$0x2] =	sbarrier.arrive $0xFFFF  }
0x42: {  	[sflag:s0] =	ssyncadd.tile.s32 @!p0 $0x1;
	_ =	shalt  }
.Lfunc_end1:
_tile_overlayer_lowered:
.L_overlay_start_2:
0x43: {  	(tag) =	ssettag $0x2  }
0x44: {  	s0 =	rddreg [dreg:$0x0];
	s2 =	stileid.u32  }
0x45: {  	s1 =	rddreg [dreg:$0x1];
	p0 =	sne.s32 s2, $0x0  }
0x46: {  	s3 =	rddreg [dreg:$0x2];
	[bflag:$0x3] =	sbarrier.arrive $0xFFFF;
	s2 =	simm.s32 @!p0 $0x1C01  }
0x47: {  	[timem:s3], [sflag:s2] =	dma.local @!p0 [hbm:s0], s1  }
0x48: {  	s0 =	simm.s32 @!p0 $0x1  }
0x49: {  	_ =	swait.ge @!p0 [sflag:s0], s1  }
0x4a: {  	s1 =	ssub.s32 @!p0 $0x0, s1;
	[sflag:s0] =	ssyncset.done @!p0 $0x0  }
0x4b: {  	[sflag:s0] =	ssyncadd.s32 @!p0 s1  }
0x4c: {  	[bflag:$0x3] =	sbarrier.arrive $0xFFFF  }
0x4d: {  	_ =	shalt  }

</sc_bundles>
